<compile_context>
chip_gen: v7x
topology: tpu7x:2x2x1
jax: 0.10.2.dev20260603
libtpu: 0.0.44.dev20260713+nightly
codegen_flags: <defaults>
</compile_context>

<pallas_src>
import functools

import jax
import jax.numpy as jnp
from jax import lax
from jax.experimental import pallas as pl
from jax.experimental.pallas import tpu as pltpu
from jax.experimental.pallas import tpu_sc as plsc

D = 128
DE = 16
NUM_STEPS = 8

NC = 2
NS = 16
NW = NC * NS

CHUNK = 40


def _mm_body(x_ref, w_ref, b_ref, o_ref):
  acc = (
      jnp.dot(x_ref[...], w_ref[...], preferred_element_type=jnp.float32)
      + b_ref[...]
  )
  o_ref[...] = acc.astype(o_ref.dtype)


def _matmul_bias(x, w, b, block_rows, out_dtype=jnp.float32):
  m, k = x.shape
  n = w.shape[1]
  grid = m // block_rows
  return pl.pallas_call(
      _mm_body,
      grid=(grid,),
      in_specs=[
          pl.BlockSpec((block_rows, k), lambda i: (i, 0)),
          pl.BlockSpec((k, n), lambda i: (0, 0)),
          pl.BlockSpec((1, n), lambda i: (0, 0)),
      ],
      out_specs=pl.BlockSpec((block_rows, n), lambda i: (i, 0)),
      out_shape=jax.ShapeDtypeStruct((m, n), out_dtype),
  )(x, w, b.reshape(1, n))


def _gru_body(p0_ref, p1_ref, h_ref, gh_ref, wi_ref, bi_ref, w1_ref, wh_ref,
              bh_ref, h2_ref, hw2_ref, gh2_ref):
  agg = p0_ref[...] + p1_ref[...]
  gx = jnp.dot(agg, wi_ref[...], preferred_element_type=jnp.float32) + bi_ref[...]
  gh = gh_ref[...]
  h = h_ref[...]
  xr, xz, xn = gx[:, :D], gx[:, D:2 * D], gx[:, 2 * D:]
  hr, hz, hn = gh[:, :D], gh[:, D:2 * D], gh[:, 2 * D:]
  r = jax.nn.sigmoid(xr + hr)
  z = jax.nn.sigmoid(xz + hz)
  n = jnp.tanh(xn + r * hn)
  h2 = (1.0 - z) * n + z * h
  h2_ref[...] = h2
  hw2_ref[...] = jnp.dot(h2, w1_ref[...], preferred_element_type=jnp.float32)
  gh2_ref[...] = (
      jnp.dot(h2, wh_ref[...], preferred_element_type=jnp.float32) + bh_ref[...]
  )


def _gru_update(p0, p1, h, gh, W_i, b_i, W1, W_h, b_h, block_rows):
  n_nodes = h.shape[0]
  grid = n_nodes // block_rows
  return pl.pallas_call(
      _gru_body,
      grid=(grid,),
      in_specs=[
          pl.BlockSpec((block_rows, D), lambda i: (i, 0)),
          pl.BlockSpec((block_rows, D), lambda i: (i, 0)),
          pl.BlockSpec((block_rows, D), lambda i: (i, 0)),
          pl.BlockSpec((block_rows, 3 * D), lambda i: (i, 0)),
          pl.BlockSpec((D, 3 * D), lambda i: (0, 0)),
          pl.BlockSpec((1, 3 * D), lambda i: (0, 0)),
          pl.BlockSpec((D, D), lambda i: (0, 0)),
          pl.BlockSpec((D, 3 * D), lambda i: (0, 0)),
          pl.BlockSpec((1, 3 * D), lambda i: (0, 0)),
      ],
      out_specs=[
          pl.BlockSpec((block_rows, D), lambda i: (i, 0)),
          pl.BlockSpec((block_rows, D), lambda i: (i, 0)),
          pl.BlockSpec((block_rows, 3 * D), lambda i: (i, 0)),
      ],
      out_shape=[
          jax.ShapeDtypeStruct((n_nodes, D), jnp.float32),
          jax.ShapeDtypeStruct((n_nodes, D), jnp.float32),
          jax.ShapeDtypeStruct((n_nodes, 3 * D), jnp.float32),
      ],
  )(p0, p1, h, gh, W_i, b_i.reshape(1, 3 * D), W1, W_h, b_h.reshape(1, 3 * D))


def _make_edge_call(n_pad, n_edges):
  epw = n_edges // NW
  nch = epw // CHUNK
  rpw = n_pad // NS
  mesh = plsc.VectorSubcoreMesh(
      core_axis_name="c", subcore_axis_name="s", num_cores=NC, num_subcores=NS)

  @functools.partial(
      pl.kernel,
      mesh=mesh,
      out_type=jax.ShapeDtypeStruct((NC * n_pad, D), jnp.float32),
      scratch_types=[
          pltpu.VMEM((CHUNK,), jnp.int32),
          pltpu.VMEM((CHUNK,), jnp.int32),
          pltpu.VMEM((CHUNK,), jnp.int32),
          pltpu.VMEM((CHUNK,), jnp.int32),
          pltpu.VMEM((CHUNK, D), jnp.float32),
          pltpu.VMEM((CHUNK, D), jnp.float32),
          pltpu.VMEM((CHUNK, D), jnp.float32),
          pltpu.VMEM((CHUNK, D), jnp.float32),
          pltpu.VMEM_SHARED((n_pad, D), jnp.float32),
          pltpu.SemaphoreType.DMA,
          pltpu.SemaphoreType.DMA,
          pltpu.SemaphoreType.DMA,
          pltpu.SemaphoreType.DMA,
          pltpu.SemaphoreType.DMA,
          pltpu.SemaphoreType.DMA,
          pltpu.SemaphoreType.DMA,
          pltpu.SemaphoreType.DMA,
          pltpu.SemaphoreType.DMA,
          pltpu.SemaphoreType.DMA,
      ],
  )
  def edge_call(hw_hbm, ebias_hbm, send_hbm, recv_hbm, zeros_hbm, out_hbm,
                sidx0, sidx1, ridx0, ridx1, rows0, rows1, eb0, eb1, agg_sh,
                gsem0, gsem1, esem0, esem1, isem0, isem1, rsem0, rsem1,
                ssem0, ssem1):
    c = lax.axis_index("c")
    s = lax.axis_index("s")
    wid = s * NC + c
    rows = (rows0, rows1)
    ebs = (eb0, eb1)
    sidx = (sidx0, sidx1)
    ridx = (ridx0, ridx1)
    gsems = (gsem0, gsem1)
    esems = (esem0, esem1)
    isems = (isem0, isem1)
    rsems = (rsem0, rsem1)
    ssems = (ssem0, ssem1)

    pltpu.sync_copy(zeros_hbm.at[pl.ds(s * rpw, rpw)],
                    agg_sh.at[pl.ds(s * rpw, rpw)])
    plsc.subcore_barrier()

    base0 = wid * epw

    def eslice(k):
      return pl.ds(base0 + k * CHUNK, CHUNK)

    def issue_sidx(k, buf):
      pltpu.async_copy(send_hbm.at[eslice(k)], sidx[buf], isems[buf])

    def wait_sidx(k, buf):
      pltpu.make_async_copy(send_hbm.at[eslice(k)], sidx[buf],
                            isems[buf]).wait()

    def issue_ridx(k, buf):
      pltpu.async_copy(recv_hbm.at[eslice(k)], ridx[buf], rsems[buf])

    def wait_ridx(k, buf):
      pltpu.make_async_copy(recv_hbm.at[eslice(k)], ridx[buf],
                            rsems[buf]).wait()

    def issue_data(k, buf):
      pltpu.async_copy(hw_hbm.at[sidx[buf]], rows[buf], gsems[buf])
      pltpu.async_copy(ebias_hbm.at[eslice(k)], ebs[buf], esems[buf])

    def wait_scatter(buf):
      pltpu.make_async_copy(rows[buf], agg_sh.at[ridx[buf]],
                            ssems[buf]).wait()

    def process(k, buf):
      pltpu.make_async_copy(hw_hbm.at[sidx[buf]], rows[buf],
                            gsems[buf]).wait()
      pltpu.make_async_copy(ebias_hbm.at[eslice(k)], ebs[buf],
                            esems[buf]).wait()
      wait_ridx(k, buf)

      def e_body(e, acc):
        for j in range(D // 16):
          sl = pl.ds(j * 16, 16)
          v = rows[buf][e, sl] + ebs[buf][e, sl]
          rows[buf][e, sl] = jnp.maximum(v, 0.0)
        return acc

      lax.fori_loop(0, CHUNK, e_body, 0)
      pltpu.async_copy(rows[buf], agg_sh.at[ridx[buf]], ssems[buf], add=True)

    def body(k, buf):
      nxt = 1 - buf
      wait_sidx(k + 1, nxt)
      wait_scatter(nxt)
      issue_ridx(k + 1, nxt)
      issue_data(k + 1, nxt)
      process(k, buf)
      issue_sidx(k + 2, buf)

    issue_sidx(0, 0)
    issue_ridx(0, 0)
    wait_sidx(0, 0)
    issue_data(0, 0)
    issue_sidx(1, 1)
    issue_ridx(1, 1)
    wait_sidx(1, 1)
    issue_data(1, 1)
    process(0, 0)
    issue_sidx(2, 0)
    wait_sidx(2, 0)
    wait_scatter(0)
    issue_ridx(2, 0)
    issue_data(2, 0)
    process(1, 1)
    issue_sidx(3, 1)

    def chunk_pair(k2, carry):
      k = 2 * k2 + 2
      body(k, 0)
      body(k + 1, 1)
      return carry

    lax.fori_loop(0, (nch - 4) // 2, chunk_pair, 0)
    wait_sidx(nch - 1, 1)
    wait_scatter(1)
    issue_ridx(nch - 1, 1)
    issue_data(nch - 1, 1)
    process(nch - 2, 0)
    wait_scatter(0)
    process(nch - 1, 1)
    wait_scatter(1)

    plsc.subcore_barrier()
    pltpu.sync_copy(agg_sh.at[pl.ds(s * rpw, rpw)],
                    out_hbm.at[pl.ds(c * n_pad + s * rpw, rpw)])

  return edge_call


def kernel(nodes, edge_attr, senders, receivers, W_msg, b_msg, W_i, W_h, b_i,
           b_h):
  n_nodes = nodes.shape[0]
  n_edges = senders.shape[0]
  senders = senders.astype(jnp.int32)
  receivers = receivers.astype(jnp.int32)

  W1 = W_msg[:D]
  W2 = W_msg[D:]

  ebias = _matmul_bias(edge_attr, W2, b_msg, block_rows=4000)

  n_pad = ((n_nodes + 1279) // 1280) * 1280
  nodes_p = jnp.pad(nodes, ((0, n_pad - n_nodes), (0, 0)))

  Wcat = jnp.concatenate([W1, W_h], axis=1)
  bcat = jnp.concatenate([jnp.zeros((D,), jnp.float32), b_h])
  hwgh = _matmul_bias(nodes_p, Wcat, bcat, block_rows=1280)
  hW0, gh0 = hwgh[:, :D], hwgh[:, D:]

  zeros = jnp.zeros((n_pad, D), jnp.float32)
  edge_call = _make_edge_call(n_pad, n_edges)

  def step(carry, _):
    h, hW, gh = carry
    p = edge_call(hW, ebias, senders, receivers, zeros)
    h2, hW2, gh2 = _gru_update(p[:n_pad], p[n_pad:], h, gh, W_i, b_i, W1,
                               W_h, b_h, block_rows=1280)
    return (h2, hW2, gh2), None

  (h_final, _, _), _ = lax.scan(step, (nodes_p, hW0, gh0),
                                jnp.arange(NUM_STEPS))
  return h_final[:n_nodes]

# --- scband reference (transcript-rebuilt; emitter-appended) ---
"""Pipeline reference for scband-edge-enabled-ggnn-model-81106162417871 (READ-ONLY COPY).

The authoritative reference and input builder live on the scoring server;
editing this copy changes nothing except your own understanding.
"""

import jax, jax.numpy as jnp
import numpy as np

N = 10000
E = 320000
D = 128            # node feature dim == edge_embedding_size (GRU state dim)
DE = 16            # edge attribute dim
NUM_STEPS = 8


def setup_inputs(seed: int = 0) -> dict:
    key = jax.random.key(seed)
    ks = jax.random.split(key, 12)
    nodes = jax.random.normal(ks[0], (N, D), dtype=jnp.float32)
    edge_attr = jax.random.normal(ks[1], (E, DE), dtype=jnp.float32)
    senders = jax.random.randint(ks[2], (E,), 0, N, dtype=jnp.int64 if jax.config.jax_enable_x64 else jnp.int32)
    receivers = jax.random.randint(ks[3], (E,), 0, N, dtype=jnp.int64 if jax.config.jax_enable_x64 else jnp.int32)
    # Message network params (edge-enabled message: Dense on [h_src || e_attr])
    W_msg = jax.random.normal(ks[4], (D + DE, D), dtype=jnp.float32) / np.sqrt(D + DE)
    b_msg = jnp.zeros((D,), dtype=jnp.float32)
    # GRU cell params (fused: reset | update | candidate)
    W_i = jax.random.normal(ks[5], (D, 3 * D), dtype=jnp.float32) / np.sqrt(D)
    W_h = jax.random.normal(ks[6], (D, 3 * D), dtype=jnp.float32) / np.sqrt(D)
    b_i = jnp.zeros((3 * D,), dtype=jnp.float32)
    b_h = jnp.zeros((3 * D,), dtype=jnp.float32)
    return {
        "nodes": nodes,
        "edge_attr": edge_attr,
        "senders": senders,
        "receivers": receivers,
        "W_msg": W_msg,
        "b_msg": b_msg,
        "W_i": W_i,
        "W_h": W_h,
        "b_i": b_i,
        "b_h": b_h,
    }


def _ggnn_step(h, edge_attr, senders, receivers, W_msg, b_msg, W_i, W_h, b_i, b_h):
    # Edge-enabled message: gather source node states, concat edge attrs, dense + activation
    h_src = jnp.take(h, senders, axis=0)                      # gather [E, D]
    m_in = jnp.concatenate([h_src, edge_attr], axis=-1)       # [E, D+DE]
    m = jax.nn.relu(m_in @ W_msg + b_msg)                     # message_activation = relu
    # Aggregate messages at destination nodes (scatter-add)
    agg = jax.ops.segment_sum(m, receivers, num_segments=N)   # [N, D]
    # GRU update (flax.linen.GRUCell semantics)
    gx = agg @ W_i + b_i
    gh = h @ W_h + b_h
    xr, xz, xn = jnp.split(gx, 3, axis=-1)
    hr, hz, hn = jnp.split(gh, 3, axis=-1)
    r = jax.nn.sigmoid(xr + hr)
    z = jax.nn.sigmoid(xz + hz)
    n = jnp.tanh(xn + r * hn)
    h_new = (1.0 - z) * n + z * h
    return h_new


def reference(nodes, edge_attr, senders, receivers, W_msg, b_msg, W_i, W_h, b_i, b_h):
    # flax.linen.scan over NUM_STEPS with params broadcast (shared weights each step);
    # xs = arange(num_steps) is threaded through as the per-step input (unused by the math).
    def body(h, t):
        h_new = _ggnn_step(h, edge_attr, senders, receivers, W_msg, b_msg, W_i, W_h, b_i, b_h)
        return h_new, None
    xs = jnp.arange(0, NUM_STEPS)
    h_final, _ = jax.lax.scan(body, nodes, xs)
    return h_final

if __name__ == "__main__":
    import jax
    _d = setup_inputs()
    print(jax.jit(kernel)(*tuple(_d.values())))

</pallas_src>

<mosaic_0001>
#map = affine_map<(d0, d1) -> (0, 0)>
#map1 = affine_map<(d0, d1) -> (0)>
module attributes {stable_mosaic.version = 14 : i64} {
  func.func @edge_call(%arg0: i32, %arg1: i32, %arg2: memref<10240x128xf32, #tpu.memory_space<hbm>>, %arg3: memref<320000x128xf32, #tpu.memory_space<hbm>>, %arg4: memref<320000xi32, #tpu.memory_space<hbm>>, %arg5: memref<320000xi32, #tpu.memory_space<hbm>>, %arg6: memref<10240x128xf32, #tpu.memory_space<hbm>>, %arg7: memref<20480x128xf32, #tpu.memory_space<hbm>>, %arg8: memref<40xi32, #tpu.memory_space<vmem>>, %arg9: memref<40xi32, #tpu.memory_space<vmem>>, %arg10: memref<40xi32, #tpu.memory_space<vmem>>, %arg11: memref<40xi32, #tpu.memory_space<vmem>>, %arg12: memref<40x128xf32, #tpu.memory_space<vmem>>, %arg13: memref<40x128xf32, #tpu.memory_space<vmem>>, %arg14: memref<40x128xf32, #tpu.memory_space<vmem>>, %arg15: memref<40x128xf32, #tpu.memory_space<vmem>>, %arg16: memref<10240x128xf32, #tpu.memory_space<vmem_shared>>, %arg17: memref<!tpu.dma_semaphore, #tpu.memory_space<semaphore_mem>>, %arg18: memref<!tpu.dma_semaphore, #tpu.memory_space<semaphore_mem>>, %arg19: memref<!tpu.dma_semaphore, #tpu.memory_space<semaphore_mem>>, %arg20: memref<!tpu.dma_semaphore, #tpu.memory_space<semaphore_mem>>, %arg21: memref<!tpu.dma_semaphore, #tpu.memory_space<semaphore_mem>>, %arg22: memref<!tpu.dma_semaphore, #tpu.memory_space<semaphore_mem>>, %arg23: memref<!tpu.dma_semaphore, #tpu.memory_space<semaphore_mem>>, %arg24: memref<!tpu.dma_semaphore, #tpu.memory_space<semaphore_mem>>, %arg25: memref<!tpu.dma_semaphore, #tpu.memory_space<semaphore_mem>>, %arg26: memref<!tpu.dma_semaphore, #tpu.memory_space<semaphore_mem>>) attributes {dimension_semantics = [#tpu.dimension_semantics<core_parallel>, #tpu.dimension_semantics<subcore_parallel>], iteration_bounds = array<i64: 2, 16>, scalar_prefetch = 0 : i64, scratch_operands = 19 : i64, tpu.core_type = #tpu.core_type<sc_vector_subcore>, window_params = [{transform_indices = #map}, {transform_indices = #map}, {transform_indices = #map1}, {transform_indices = #map1}, {transform_indices = #map}, {transform_indices = #map}]} {
    %mul3A = arith.constant 2 : i32
    %mul3A_0 = arith.muli %arg1, %mul3A : i32
    %add3A = arith.addi %mul3A_0, %arg0 : i32
    %mul3A_1 = arith.constant 640 : i32
    %mul3A_2 = arith.muli %arg1, %mul3A_1 : i32
    %mul3A_3 = arith.constant 640 : i32
    %mul3A_4 = arith.muli %arg1, %mul3A_3 : i32
    "tpu.region"() ({
      %run_scoped3A = tpu.sem_alloc : memref<!tpu.dma_semaphore, #tpu.memory_space<semaphore_mem>>
      %dma_start3A_202 = arith.constant 0 : i32
      %dma_start3A_203 = tpu.memref_slice %arg16[%mul3A_4, %dma_start3A_202] : memref<10240x128xf32, #tpu.memory_space<vmem_shared>> -> memref<640x128xf32, #tpu.memory_space<vmem_shared>>
      %dma_start3A_204 = arith.constant 0 : i32
      %dma_start3A_205 = tpu.memref_slice %arg6[%mul3A_2, %dma_start3A_204] : memref<10240x128xf32, #tpu.memory_space<hbm>> -> memref<640x128xf32, #tpu.memory_space<hbm>>
      tpu.enqueue_dma source(%dma_start3A_205 : memref<640x128xf32, #tpu.memory_space<hbm>>) target(%dma_start3A_203 : memref<640x128xf32, #tpu.memory_space<vmem_shared>>) target_semaphore(%run_scoped3A : memref<!tpu.dma_semaphore, #tpu.memory_space<semaphore_mem>>)
      %dma_wait3A_206 = arith.constant 0 : i32
      %dma_wait3A_207 = tpu.memref_slice %arg16[%mul3A_4, %dma_wait3A_206] : memref<10240x128xf32, #tpu.memory_space<vmem_shared>> -> memref<640x128xf32, #tpu.memory_space<vmem_shared>>
      %dma_wait3A_208 = arith.constant 0 : i32
      %dma_wait3A_209 = tpu.memref_slice %arg6[%mul3A_2, %dma_wait3A_208] : memref<10240x128xf32, #tpu.memory_space<hbm>> -> memref<640x128xf32, #tpu.memory_space<hbm>>
      tpu.wait_dma2 semaphore(%run_scoped3A : memref<!tpu.dma_semaphore, #tpu.memory_space<semaphore_mem>>) src(%dma_wait3A_209 : memref<640x128xf32, #tpu.memory_space<hbm>>) dst(%dma_wait3A_207 : memref<640x128xf32, #tpu.memory_space<vmem_shared>>)
      tpu.yield
    }) : () -> ()
    %barrier3A = arith.constant 0 : index
    tpu.barrier barrier_id(%barrier3A)
    %mul3A_5 = arith.constant 10000 : i32
    %mul3A_6 = arith.muli %add3A, %mul3A_5 : i32
    %add3A_7 = arith.constant 0 : i32
    %add3A_8 = arith.addi %mul3A_6, %add3A_7 : i32
    %dma_start3A = tpu.memref_slice %arg4[%add3A_8] : memref<320000xi32, #tpu.memory_space<hbm>> -> memref<40xi32, #tpu.memory_space<hbm>>
    %dma_start3A_9 = tpu.memref_slice %arg4[%add3A_8] : memref<320000xi32, #tpu.memory_space<hbm>> -> memref<40xi32, #tpu.memory_space<hbm>>
    tpu.enqueue_dma source(%dma_start3A_9 : memref<40xi32, #tpu.memory_space<hbm>>) target(%arg8 : memref<40xi32, #tpu.memory_space<vmem>>) target_semaphore(%arg21 : memref<!tpu.dma_semaphore, #tpu.memory_space<semaphore_mem>>)
    %add3A_10 = arith.constant 0 : i32
    %add3A_11 = arith.addi %mul3A_6, %add3A_10 : i32
    %dma_start3A_12 = tpu.memref_slice %arg5[%add3A_11] : memref<320000xi32, #tpu.memory_space<hbm>> -> memref<40xi32, #tpu.memory_space<hbm>>
    %dma_start3A_13 = tpu.memref_slice %arg5[%add3A_11] : memref<320000xi32, #tpu.memory_space<hbm>> -> memref<40xi32, #tpu.memory_space<hbm>>
    tpu.enqueue_dma source(%dma_start3A_13 : memref<40xi32, #tpu.memory_space<hbm>>) target(%arg10 : memref<40xi32, #tpu.memory_space<vmem>>) target_semaphore(%arg23 : memref<!tpu.dma_semaphore, #tpu.memory_space<semaphore_mem>>)
    %add3A_14 = arith.constant 0 : i32
    %add3A_15 = arith.addi %mul3A_6, %add3A_14 : i32
    %dma_wait3A = tpu.memref_slice %arg4[%add3A_15] : memref<320000xi32, #tpu.memory_space<hbm>> -> memref<40xi32, #tpu.memory_space<hbm>>
    %dma_wait3A_16 = tpu.memref_slice %arg4[%add3A_15] : memref<320000xi32, #tpu.memory_space<hbm>> -> memref<40xi32, #tpu.memory_space<hbm>>
    tpu.wait_dma2 semaphore(%arg21 : memref<!tpu.dma_semaphore, #tpu.memory_space<semaphore_mem>>) src(%dma_wait3A_16 : memref<40xi32, #tpu.memory_space<hbm>>) dst(%arg8 : memref<40xi32, #tpu.memory_space<vmem>>)
    %dma_start3A_17 = arith.constant 0 : i32
    %dma_start3A_18 = arith.constant 0 : i32
    %dma_start3A_19 = tpu.memref_slice %arg2[%dma_start3A_17, %dma_start3A_18] : memref<10240x128xf32, #tpu.memory_space<hbm>> -> memref<10240x128xf32, #tpu.memory_space<hbm>>
    tpu.enqueue_indirect_dma source(%dma_start3A_19 : memref<10240x128xf32, #tpu.memory_space<hbm>>) target(%arg12 : memref<40x128xf32, #tpu.memory_space<vmem>>) offsets(%arg8 : memref<40xi32, #tpu.memory_space<vmem>>) semaphore(%arg17 : memref<!tpu.dma_semaphore, #tpu.memory_space<semaphore_mem>>)
    %add3A_20 = arith.constant 0 : i32
    %add3A_21 = arith.addi %mul3A_6, %add3A_20 : i32
    %dma_start3A_22 = arith.constant 0 : i32
    %dma_start3A_23 = tpu.memref_slice %arg3[%add3A_21, %dma_start3A_22] : memref<320000x128xf32, #tpu.memory_space<hbm>> -> memref<40x128xf32, #tpu.memory_space<hbm>>
    %dma_start3A_24 = arith.constant 0 : i32
    %dma_start3A_25 = tpu.memref_slice %arg3[%add3A_21, %dma_start3A_24] : memref<320000x128xf32, #tpu.memory_space<hbm>> -> memref<40x128xf32, #tpu.memory_space<hbm>>
    tpu.enqueue_dma source(%dma_start3A_25 : memref<40x128xf32, #tpu.memory_space<hbm>>) target(%arg14 : memref<40x128xf32, #tpu.memory_space<vmem>>) target_semaphore(%arg19 : memref<!tpu.dma_semaphore, #tpu.memory_space<semaphore_mem>>)
    %add3A_26 = arith.constant 40 : i32
    %add3A_27 = arith.addi %mul3A_6, %add3A_26 : i32
    %dma_start3A_28 = tpu.memref_slice %arg4[%add3A_27] : memref<320000xi32, #tpu.memory_space<hbm>> -> memref<40xi32, #tpu.memory_space<hbm>>
    %dma_start3A_29 = tpu.memref_slice %arg4[%add3A_27] : memref<320000xi32, #tpu.memory_space<hbm>> -> memref<40xi32, #tpu.memory_space<hbm>>
    tpu.enqueue_dma source(%dma_start3A_29 : memref<40xi32, #tpu.memory_space<hbm>>) target(%arg9 : memref<40xi32, #tpu.memory_space<vmem>>) target_semaphore(%arg22 : memref<!tpu.dma_semaphore, #tpu.memory_space<semaphore_mem>>)
    %add3A_30 = arith.constant 40 : i32
    %add3A_31 = arith.addi %mul3A_6, %add3A_30 : i32
    %dma_start3A_32 = tpu.memref_slice %arg5[%add3A_31] : memref<320000xi32, #tpu.memory_space<hbm>> -> memref<40xi32, #tpu.memory_space<hbm>>
    %dma_start3A_33 = tpu.memref_slice %arg5[%add3A_31] : memref<320000xi32, #tpu.memory_space<hbm>> -> memref<40xi32, #tpu.memory_space<hbm>>
    tpu.enqueue_dma source(%dma_start3A_33 : memref<40xi32, #tpu.memory_space<hbm>>) target(%arg11 : memref<40xi32, #tpu.memory_space<vmem>>) target_semaphore(%arg24 : memref<!tpu.dma_semaphore, #tpu.memory_space<semaphore_mem>>)
    %add3A_34 = arith.constant 40 : i32
    %add3A_35 = arith.addi %mul3A_6, %add3A_34 : i32
    %dma_wait3A_36 = tpu.memref_slice %arg4[%add3A_35] : memref<320000xi32, #tpu.memory_space<hbm>> -> memref<40xi32, #tpu.memory_space<hbm>>
    %dma_wait3A_37 = tpu.memref_slice %arg4[%add3A_35] : memref<320000xi32, #tpu.memory_space<hbm>> -> memref<40xi32, #tpu.memory_space<hbm>>
    tpu.wait_dma2 semaphore(%arg22 : memref<!tpu.dma_semaphore, #tpu.memory_space<semaphore_mem>>) src(%dma_wait3A_37 : memref<40xi32, #tpu.memory_space<hbm>>) dst(%arg9 : memref<40xi32, #tpu.memory_space<vmem>>)
    %dma_start3A_38 = arith.constant 0 : i32
    %dma_start3A_39 = arith.constant 0 : i32
    %dma_start3A_40 = tpu.memref_slice %arg2[%dma_start3A_38, %dma_start3A_39] : memref<10240x128xf32, #tpu.memory_space<hbm>> -> memref<10240x128xf32, #tpu.memory_space<hbm>>
    tpu.enqueue_indirect_dma source(%dma_start3A_40 : memref<10240x128xf32, #tpu.memory_space<hbm>>) target(%arg13 : memref<40x128xf32, #tpu.memory_space<vmem>>) offsets(%arg9 : memref<40xi32, #tpu.memory_space<vmem>>) semaphore(%arg18 : memref<!tpu.dma_semaphore, #tpu.memory_space<semaphore_mem>>)
    %add3A_41 = arith.constant 40 : i32
    %add3A_42 = arith.addi %mul3A_6, %add3A_41 : i32
    %dma_start3A_43 = arith.constant 0 : i32
    %dma_start3A_44 = tpu.memref_slice %arg3[%add3A_42, %dma_start3A_43] : memref<320000x128xf32, #tpu.memory_space<hbm>> -> memref<40x128xf32, #tpu.memory_space<hbm>>
    %dma_start3A_45 = arith.constant 0 : i32
    %dma_start3A_46 = tpu.memref_slice %arg3[%add3A_42, %dma_start3A_45] : memref<320000x128xf32, #tpu.memory_space<hbm>> -> memref<40x128xf32, #tpu.memory_space<hbm>>
    tpu.enqueue_dma source(%dma_start3A_46 : memref<40x128xf32, #tpu.memory_space<hbm>>) target(%arg15 : memref<40x128xf32, #tpu.memory_space<vmem>>) target_semaphore(%arg20 : memref<!tpu.dma_semaphore, #tpu.memory_space<semaphore_mem>>)
    %dma_wait3A_47 = arith.constant 0 : i32
    %dma_wait3A_48 = arith.constant 0 : i32
    %dma_wait3A_49 = tpu.memref_slice %arg2[%dma_wait3A_47, %dma_wait3A_48] : memref<10240x128xf32, #tpu.memory_space<hbm>> -> memref<10240x128xf32, #tpu.memory_space<hbm>>
    tpu.wait_indirect_dma semaphore(%arg17 : memref<!tpu.dma_semaphore, #tpu.memory_space<semaphore_mem>>) src(%dma_wait3A_49 : memref<10240x128xf32, #tpu.memory_space<hbm>>) dst(%arg12 : memref<40x128xf32, #tpu.memory_space<vmem>>)
    %add3A_50 = arith.constant 0 : i32
    %add3A_51 = arith.addi %mul3A_6, %add3A_50 : i32
    %dma_wait3A_52 = arith.constant 0 : i32
    %dma_wait3A_53 = tpu.memref_slice %arg3[%add3A_51, %dma_wait3A_52] : memref<320000x128xf32, #tpu.memory_space<hbm>> -> memref<40x128xf32, #tpu.memory_space<hbm>>
    %dma_wait3A_54 = arith.constant 0 : i32
    %dma_wait3A_55 = tpu.memref_slice %arg3[%add3A_51, %dma_wait3A_54] : memref<320000x128xf32, #tpu.memory_space<hbm>> -> memref<40x128xf32, #tpu.memory_space<hbm>>
    tpu.wait_dma2 semaphore(%arg19 : memref<!tpu.dma_semaphore, #tpu.memory_space<semaphore_mem>>) src(%dma_wait3A_55 : memref<40x128xf32, #tpu.memory_space<hbm>>) dst(%arg14 : memref<40x128xf32, #tpu.memory_space<vmem>>)
    %add3A_56 = arith.constant 0 : i32
    %add3A_57 = arith.addi %mul3A_6, %add3A_56 : i32
    %dma_wait3A_58 = tpu.memref_slice %arg5[%add3A_57] : memref<320000xi32, #tpu.memory_space<hbm>> -> memref<40xi32, #tpu.memory_space<hbm>>
    %dma_wait3A_59 = tpu.memref_slice %arg5[%add3A_57] : memref<320000xi32, #tpu.memory_space<hbm>> -> memref<40xi32, #tpu.memory_space<hbm>>
    tpu.wait_dma2 semaphore(%arg23 : memref<!tpu.dma_semaphore, #tpu.memory_space<semaphore_mem>>) src(%dma_wait3A_59 : memref<40xi32, #tpu.memory_space<hbm>>) dst(%arg10 : memref<40xi32, #tpu.memory_space<vmem>>)
    %scan3A = arith.constant 0 : i32
    %scan3A_60 = arith.constant 0 : i32
    %scan3A_61 = arith.constant 40 : i32
    %scan3A_62 = arith.addi %scan3A_60, %scan3A_61 : i32
    %scan3A_63 = arith.constant 1 : i32
    scf.for %scan3A_202 = %scan3A_60 to %scan3A_62 step %scan3A_63  : i32 {
      %get3A = arith.index_cast %scan3A_202 : i32 to index
      %get3A_203 = arith.constant 0 : index
      %get3A_204 = tpu.vector_load %arg12[%get3A, %get3A_203] {strides = array<i32>} : memref<40x128xf32, #tpu.memory_space<vmem>>, vector<1x16xf32>,
      %get3A_205 = vector.shape_cast %get3A_204 : vector<1x16xf32> to vector<16xf32>
      %get3A_206 = arith.index_cast %scan3A_202 : i32 to index
      %get3A_207 = arith.constant 0 : index
      %get3A_208 = tpu.vector_load %arg14[%get3A_206, %get3A_207] {strides = array<i32>} : memref<40x128xf32, #tpu.memory_space<vmem>>, vector<1x16xf32>,
      %get3A_209 = vector.shape_cast %get3A_208 : vector<1x16xf32> to vector<16xf32>
      %add3A_210 = arith.addf %get3A_205, %get3A_209 : vector<16xf32>
      %max3A = arith.constant 0.000000e+00 : f32
      %max3A_211 = vector.broadcast %max3A : f32 to vector<16xf32>
      %max3A_212 = arith.maximumf %add3A_210, %max3A_211 : vector<16xf32>
      %swap3A = arith.index_cast %scan3A_202 : i32 to index
      %swap3A_213 = arith.constant 0 : index
      %swap3A_214 = tpu.vector_load %arg12[%swap3A, %swap3A_213] {strides = array<i32>} : memref<40x128xf32, #tpu.memory_space<vmem>>, vector<1x16xf32>,
      %swap3A_215 = vector.shape_cast %swap3A_214 : vector<1x16xf32> to vector<16xf32>
      %swap3A_216 = vector.shape_cast %max3A_212 : vector<16xf32> to vector<1x16xf32>
      tpu.vector_store %arg12[%swap3A, %swap3A_213], %swap3A_216 {strides = array<i32>} : memref<40x128xf32, #tpu.memory_space<vmem>>, vector<1x16xf32>,
      %get3A_217 = arith.index_cast %scan3A_202 : i32 to index
      %get3A_218 = arith.constant 16 : index
      %get3A_219 = tpu.vector_load %arg12[%get3A_217, %get3A_218] {strides = array<i32>} : memref<40x128xf32, #tpu.memory_space<vmem>>, vector<1x16xf32>,
      %get3A_220 = vector.shape_cast %get3A_219 : vector<1x16xf32> to vector<16xf32>
      %get3A_221 = arith.index_cast %scan3A_202 : i32 to index
      %get3A_222 = arith.constant 16 : index
      %get3A_223 = tpu.vector_load %arg14[%get3A_221, %get3A_222] {strides = array<i32>} : memref<40x128xf32, #tpu.memory_space<vmem>>, vector<1x16xf32>,
      %get3A_224 = vector.shape_cast %get3A_223 : vector<1x16xf32> to vector<16xf32>
      %add3A_225 = arith.addf %get3A_220, %get3A_224 : vector<16xf32>
      %max3A_226 = arith.constant 0.000000e+00 : f32
      %max3A_227 = vector.broadcast %max3A_226 : f32 to vector<16xf32>
      %max3A_228 = arith.maximumf %add3A_225, %max3A_227 : vector<16xf32>
      %swap3A_229 = arith.index_cast %scan3A_202 : i32 to index
      %swap3A_230 = arith.constant 16 : index
      %swap3A_231 = tpu.vector_load %arg12[%swap3A_229, %swap3A_230] {strides = array<i32>} : memref<40x128xf32, #tpu.memory_space<vmem>>, vector<1x16xf32>,
      %swap3A_232 = vector.shape_cast %swap3A_231 : vector<1x16xf32> to vector<16xf32>
      %swap3A_233 = vector.shape_cast %max3A_228 : vector<16xf32> to vector<1x16xf32>
      tpu.vector_store %arg12[%swap3A_229, %swap3A_230], %swap3A_233 {strides = array<i32>} : memref<40x128xf32, #tpu.memory_space<vmem>>, vector<1x16xf32>,
      %get3A_234 = arith.index_cast %scan3A_202 : i32 to index
      %get3A_235 = arith.constant 32 : index
      %get3A_236 = tpu.vector_load %arg12[%get3A_234, %get3A_235] {strides = array<i32>} : memref<40x128xf32, #tpu.memory_space<vmem>>, vector<1x16xf32>,
      %get3A_237 = vector.shape_cast %get3A_236 : vector<1x16xf32> to vector<16xf32>
      %get3A_238 = arith.index_cast %scan3A_202 : i32 to index
      %get3A_239 = arith.constant 32 : index
      %get3A_240 = tpu.vector_load %arg14[%get3A_238, %get3A_239] {strides = array<i32>} : memref<40x128xf32, #tpu.memory_space<vmem>>, vector<1x16xf32>,
      %get3A_241 = vector.shape_cast %get3A_240 : vector<1x16xf32> to vector<16xf32>
      %add3A_242 = arith.addf %get3A_237, %get3A_241 : vector<16xf32>
      %max3A_243 = arith.constant 0.000000e+00 : f32
      %max3A_244 = vector.broadcast %max3A_243 : f32 to vector<16xf32>
      %max3A_245 = arith.maximumf %add3A_242, %max3A_244 : vector<16xf32>
      %swap3A_246 = arith.index_cast %scan3A_202 : i32 to index
      %swap3A_247 = arith.constant 32 : index
      %swap3A_248 = tpu.vector_load %arg12[%swap3A_246, %swap3A_247] {strides = array<i32>} : memref<40x128xf32, #tpu.memory_space<vmem>>, vector<1x16xf32>,
      %swap3A_249 = vector.shape_cast %swap3A_248 : vector<1x16xf32> to vector<16xf32>
      %swap3A_250 = vector.shape_cast %max3A_245 : vector<16xf32> to vector<1x16xf32>
      tpu.vector_store %arg12[%swap3A_246, %swap3A_247], %swap3A_250 {strides = array<i32>} : memref<40x128xf32, #tpu.memory_space<vmem>>, vector<1x16xf32>,
      %get3A_251 = arith.index_cast %scan3A_202 : i32 to index
      %get3A_252 = arith.constant 48 : index
      %get3A_253 = tpu.vector_load %arg12[%get3A_251, %get3A_252] {strides = array<i32>} : memref<40x128xf32, #tpu.memory_space<vmem>>, vector<1x16xf32>,
      %get3A_254 = vector.shape_cast %get3A_253 : vector<1x16xf32> to vector<16xf32>
      %get3A_255 = arith.index_cast %scan3A_202 : i32 to index
      %get3A_256 = arith.constant 48 : index
      %get3A_257 = tpu.vector_load %arg14[%get3A_255, %get3A_256] {strides = array<i32>} : memref<40x128xf32, #tpu.memory_space<vmem>>, vector<1x16xf32>,
      %get3A_258 = vector.shape_cast %get3A_257 : vector<1x16xf32> to vector<16xf32>
      %add3A_259 = arith.addf %get3A_254, %get3A_258 : vector<16xf32>
      %max3A_260 = arith.constant 0.000000e+00 : f32
      %max3A_261 = vector.broadcast %max3A_260 : f32 to vector<16xf32>
      %max3A_262 = arith.maximumf %add3A_259, %max3A_261 : vector<16xf32>
      %swap3A_263 = arith.index_cast %scan3A_202 : i32 to index
      %swap3A_264 = arith.constant 48 : index
      %swap3A_265 = tpu.vector_load %arg12[%swap3A_263, %swap3A_264] {strides = array<i32>} : memref<40x128xf32, #tpu.memory_space<vmem>>, vector<1x16xf32>,
      %swap3A_266 = vector.shape_cast %swap3A_265 : vector<1x16xf32> to vector<16xf32>
      %swap3A_267 = vector.shape_cast %max3A_262 : vector<16xf32> to vector<1x16xf32>
      tpu.vector_store %arg12[%swap3A_263, %swap3A_264], %swap3A_267 {strides = array<i32>} : memref<40x128xf32, #tpu.memory_space<vmem>>, vector<1x16xf32>,
      %get3A_268 = arith.index_cast %scan3A_202 : i32 to index
      %get3A_269 = arith.constant 64 : index
      %get3A_270 = tpu.vector_load %arg12[%get3A_268, %get3A_269] {strides = array<i32>} : memref<40x128xf32, #tpu.memory_space<vmem>>, vector<1x16xf32>,
      %get3A_271 = vector.shape_cast %get3A_270 : vector<1x16xf32> to vector<16xf32>
      %get3A_272 = arith.index_cast %scan3A_202 : i32 to index
      %get3A_273 = arith.constant 64 : index
      %get3A_274 = tpu.vector_load %arg14[%get3A_272, %get3A_273] {strides = array<i32>} : memref<40x128xf32, #tpu.memory_space<vmem>>, vector<1x16xf32>,
      %get3A_275 = vector.shape_cast %get3A_274 : vector<1x16xf32> to vector<16xf32>
      %add3A_276 = arith.addf %get3A_271, %get3A_275 : vector<16xf32>
      %max3A_277 = arith.constant 0.000000e+00 : f32
      %max3A_278 = vector.broadcast %max3A_277 : f32 to vector<16xf32>
      %max3A_279 = arith.maximumf %add3A_276, %max3A_278 : vector<16xf32>
      %swap3A_280 = arith.index_cast %scan3A_202 : i32 to index
      %swap3A_281 = arith.constant 64 : index
      %swap3A_282 = tpu.vector_load %arg12[%swap3A_280, %swap3A_281] {strides = array<i32>} : memref<40x128xf32, #tpu.memory_space<vmem>>, vector<1x16xf32>,
      %swap3A_283 = vector.shape_cast %swap3A_282 : vector<1x16xf32> to vector<16xf32>
      %swap3A_284 = vector.shape_cast %max3A_279 : vector<16xf32> to vector<1x16xf32>
      tpu.vector_store %arg12[%swap3A_280, %swap3A_281], %swap3A_284 {strides = array<i32>} : memref<40x128xf32, #tpu.memory_space<vmem>>, vector<1x16xf32>,
      %get3A_285 = arith.index_cast %scan3A_202 : i32 to index
      %get3A_286 = arith.constant 80 : index
      %get3A_287 = tpu.vector_load %arg12[%get3A_285, %get3A_286] {strides = array<i32>} : memref<40x128xf32, #tpu.memory_space<vmem>>, vector<1x16xf32>,
      %get3A_288 = vector.shape_cast %get3A_287 : vector<1x16xf32> to vector<16xf32>
      %get3A_289 = arith.index_cast %scan3A_202 : i32 to index
      %get3A_290 = arith.constant 80 : index
      %get3A_291 = tpu.vector_load %arg14[%get3A_289, %get3A_290] {strides = array<i32>} : memref<40x128xf32, #tpu.memory_space<vmem>>, vector<1x16xf32>,
      %get3A_292 = vector.shape_cast %get3A_291 : vector<1x16xf32> to vector<16xf32>
      %add3A_293 = arith.addf %get3A_288, %get3A_292 : vector<16xf32>
      %max3A_294 = arith.constant 0.000000e+00 : f32
      %max3A_295 = vector.broadcast %max3A_294 : f32 to vector<16xf32>
      %max3A_296 = arith.maximumf %add3A_293, %max3A_295 : vector<16xf32>
      %swap3A_297 = arith.index_cast %scan3A_202 : i32 to index
      %swap3A_298 = arith.constant 80 : index
      %swap3A_299 = tpu.vector_load %arg12[%swap3A_297, %swap3A_298] {strides = array<i32>} : memref<40x128xf32, #tpu.memory_space<vmem>>, vector<1x16xf32>,
      %swap3A_300 = vector.shape_cast %swap3A_299 : vector<1x16xf32> to vector<16xf32>
      %swap3A_301 = vector.shape_cast %max3A_296 : vector<16xf32> to vector<1x16xf32>
      tpu.vector_store %arg12[%swap3A_297, %swap3A_298], %swap3A_301 {strides = array<i32>} : memref<40x128xf32, #tpu.memory_space<vmem>>, vector<1x16xf32>,
      %get3A_302 = arith.index_cast %scan3A_202 : i32 to index
      %get3A_303 = arith.constant 96 : index
      %get3A_304 = tpu.vector_load %arg12[%get3A_302, %get3A_303] {strides = array<i32>} : memref<40x128xf32, #tpu.memory_space<vmem>>, vector<1x16xf32>,
      %get3A_305 = vector.shape_cast %get3A_304 : vector<1x16xf32> to vector<16xf32>
      %get3A_306 = arith.index_cast %scan3A_202 : i32 to index
      %get3A_307 = arith.constant 96 : index
      %get3A_308 = tpu.vector_load %arg14[%get3A_306, %get3A_307] {strides = array<i32>} : memref<40x128xf32, #tpu.memory_space<vmem>>, vector<1x16xf32>,
      %get3A_309 = vector.shape_cast %get3A_308 : vector<1x16xf32> to vector<16xf32>
      %add3A_310 = arith.addf %get3A_305, %get3A_309 : vector<16xf32>
      %max3A_311 = arith.constant 0.000000e+00 : f32
      %max3A_312 = vector.broadcast %max3A_311 : f32 to vector<16xf32>
      %max3A_313 = arith.maximumf %add3A_310, %max3A_312 : vector<16xf32>
      %swap3A_314 = arith.index_cast %scan3A_202 : i32 to index
      %swap3A_315 = arith.constant 96 : index
      %swap3A_316 = tpu.vector_load %arg12[%swap3A_314, %swap3A_315] {strides = array<i32>} : memref<40x128xf32, #tpu.memory_space<vmem>>, vector<1x16xf32>,
      %swap3A_317 = vector.shape_cast %swap3A_316 : vector<1x16xf32> to vector<16xf32>
      %swap3A_318 = vector.shape_cast %max3A_313 : vector<16xf32> to vector<1x16xf32>
      tpu.vector_store %arg12[%swap3A_314, %swap3A_315], %swap3A_318 {strides = array<i32>} : memref<40x128xf32, #tpu.memory_space<vmem>>, vector<1x16xf32>,
      %get3A_319 = arith.index_cast %scan3A_202 : i32 to index
      %get3A_320 = arith.constant 112 : index
      %get3A_321 = tpu.vector_load %arg12[%get3A_319, %get3A_320] {strides = array<i32>} : memref<40x128xf32, #tpu.memory_space<vmem>>, vector<1x16xf32>,
      %get3A_322 = vector.shape_cast %get3A_321 : vector<1x16xf32> to vector<16xf32>
      %get3A_323 = arith.index_cast %scan3A_202 : i32 to index
      %get3A_324 = arith.constant 112 : index
      %get3A_325 = tpu.vector_load %arg14[%get3A_323, %get3A_324] {strides = array<i32>} : memref<40x128xf32, #tpu.memory_space<vmem>>, vector<1x16xf32>,
      %get3A_326 = vector.shape_cast %get3A_325 : vector<1x16xf32> to vector<16xf32>
      %add3A_327 = arith.addf %get3A_322, %get3A_326 : vector<16xf32>
      %max3A_328 = arith.constant 0.000000e+00 : f32
      %max3A_329 = vector.broadcast %max3A_328 : f32 to vector<16xf32>
      %max3A_330 = arith.maximumf %add3A_327, %max3A_329 : vector<16xf32>
      %swap3A_331 = arith.index_cast %scan3A_202 : i32 to index
      %swap3A_332 = arith.constant 112 : index
      %swap3A_333 = tpu.vector_load %arg12[%swap3A_331, %swap3A_332] {strides = array<i32>} : memref<40x128xf32, #tpu.memory_space<vmem>>, vector<1x16xf32>,
      %swap3A_334 = vector.shape_cast %swap3A_333 : vector<1x16xf32> to vector<16xf32>
      %swap3A_335 = vector.shape_cast %max3A_330 : vector<16xf32> to vector<1x16xf32>
      tpu.vector_store %arg12[%swap3A_331, %swap3A_332], %swap3A_335 {strides = array<i32>} : memref<40x128xf32, #tpu.memory_space<vmem>>, vector<1x16xf32>,
    }
    %scan3A_64 = arith.constant 40 : i32
    %dma_start3A_65 = arith.constant 0 : i32
    %dma_start3A_66 = arith.constant 0 : i32
    %dma_start3A_67 = tpu.memref_slice %arg16[%dma_start3A_65, %dma_start3A_66] : memref<10240x128xf32, #tpu.memory_space<vmem_shared>> -> memref<10240x128xf32, #tpu.memory_space<vmem_shared>>
    tpu.enqueue_indirect_dma source(%arg12 : memref<40x128xf32, #tpu.memory_space<vmem>>) target(%dma_start3A_67 : memref<10240x128xf32, #tpu.memory_space<vmem_shared>>) offsets(%arg10 : memref<40xi32, #tpu.memory_space<vmem>>) semaphore(%arg25 : memref<!tpu.dma_semaphore, #tpu.memory_space<semaphore_mem>>) {add = true}
    %add3A_68 = arith.constant 80 : i32
    %add3A_69 = arith.addi %mul3A_6, %add3A_68 : i32
    %dma_start3A_70 = tpu.memref_slice %arg4[%add3A_69] : memref<320000xi32, #tpu.memory_space<hbm>> -> memref<40xi32, #tpu.memory_space<hbm>>
    %dma_start3A_71 = tpu.memref_slice %arg4[%add3A_69] : memref<320000xi32, #tpu.memory_space<hbm>> -> memref<40xi32, #tpu.memory_space<hbm>>
    tpu.enqueue_dma source(%dma_start3A_71 : memref<40xi32, #tpu.memory_space<hbm>>) target(%arg8 : memref<40xi32, #tpu.memory_space<vmem>>) target_semaphore(%arg21 : memref<!tpu.dma_semaphore, #tpu.memory_space<semaphore_mem>>)
    %add3A_72 = arith.constant 80 : i32
    %add3A_73 = arith.addi %mul3A_6, %add3A_72 : i32
    %dma_wait3A_74 = tpu.memref_slice %arg4[%add3A_73] : memref<320000xi32, #tpu.memory_space<hbm>> -> memref<40xi32, #tpu.memory_space<hbm>>
    %dma_wait3A_75 = tpu.memref_slice %arg4[%add3A_73] : memref<320000xi32, #tpu.memory_space<hbm>> -> memref<40xi32, #tpu.memory_space<hbm>>
    tpu.wait_dma2 semaphore(%arg21 : memref<!tpu.dma_semaphore, #tpu.memory_space<semaphore_mem>>) src(%dma_wait3A_75 : memref<40xi32, #tpu.memory_space<hbm>>) dst(%arg8 : memref<40xi32, #tpu.memory_space<vmem>>)
    %dma_wait3A_76 = arith.constant 0 : i32
    %dma_wait3A_77 = arith.constant 0 : i32
    %dma_wait3A_78 = tpu.memref_slice %arg16[%dma_wait3A_76, %dma_wait3A_77] : memref<10240x128xf32, #tpu.memory_space<vmem_shared>> -> memref<10240x128xf32, #tpu.memory_space<vmem_shared>>
    tpu.wait_indirect_dma semaphore(%arg25 : memref<!tpu.dma_semaphore, #tpu.memory_space<semaphore_mem>>) src(%arg12 : memref<40x128xf32, #tpu.memory_space<vmem>>) dst(%dma_wait3A_78 : memref<10240x128xf32, #tpu.memory_space<vmem_shared>>)
    %add3A_79 = arith.constant 80 : i32
    %add3A_80 = arith.addi %mul3A_6, %add3A_79 : i32
    %dma_start3A_81 = tpu.memref_slice %arg5[%add3A_80] : memref<320000xi32, #tpu.memory_space<hbm>> -> memref<40xi32, #tpu.memory_space<hbm>>
    %dma_start3A_82 = tpu.memref_slice %arg5[%add3A_80] : memref<320000xi32, #tpu.memory_space<hbm>> -> memref<40xi32, #tpu.memory_space<hbm>>
    tpu.enqueue_dma source(%dma_start3A_82 : memref<40xi32, #tpu.memory_space<hbm>>) target(%arg10 : memref<40xi32, #tpu.memory_space<vmem>>) target_semaphore(%arg23 : memref<!tpu.dma_semaphore, #tpu.memory_space<semaphore_mem>>)
    %dma_start3A_83 = arith.constant 0 : i32
    %dma_start3A_84 = arith.constant 0 : i32
    %dma_start3A_85 = tpu.memref_slice %arg2[%dma_start3A_83, %dma_start3A_84] : memref<10240x128xf32, #tpu.memory_space<hbm>> -> memref<10240x128xf32, #tpu.memory_space<hbm>>
    tpu.enqueue_indirect_dma source(%dma_start3A_85 : memref<10240x128xf32, #tpu.memory_space<hbm>>) target(%arg12 : memref<40x128xf32, #tpu.memory_space<vmem>>) offsets(%arg8 : memref<40xi32, #tpu.memory_space<vmem>>) semaphore(%arg17 : memref<!tpu.dma_semaphore, #tpu.memory_space<semaphore_mem>>)
    %add3A_86 = arith.constant 80 : i32
    %add3A_87 = arith.addi %mul3A_6, %add3A_86 : i32
    %dma_start3A_88 = arith.constant 0 : i32
    %dma_start3A_89 = tpu.memref_slice %arg3[%add3A_87, %dma_start3A_88] : memref<320000x128xf32, #tpu.memory_space<hbm>> -> memref<40x128xf32, #tpu.memory_space<hbm>>
    %dma_start3A_90 = arith.constant 0 : i32
    %dma_start3A_91 = tpu.memref_slice %arg3[%add3A_87, %dma_start3A_90] : memref<320000x128xf32, #tpu.memory_space<hbm>> -> memref<40x128xf32, #tpu.memory_space<hbm>>
    tpu.enqueue_dma source(%dma_start3A_91 : memref<40x128xf32, #tpu.memory_space<hbm>>) target(%arg14 : memref<40x128xf32, #tpu.memory_space<vmem>>) target_semaphore(%arg19 : memref<!tpu.dma_semaphore, #tpu.memory_space<semaphore_mem>>)
    %dma_wait3A_92 = arith.constant 0 : i32
    %dma_wait3A_93 = arith.constant 0 : i32
    %dma_wait3A_94 = tpu.memref_slice %arg2[%dma_wait3A_92, %dma_wait3A_93] : memref<10240x128xf32, #tpu.memory_space<hbm>> -> memref<10240x128xf32, #tpu.memory_space<hbm>>
    tpu.wait_indirect_dma semaphore(%arg18 : memref<!tpu.dma_semaphore, #tpu.memory_space<semaphore_mem>>) src(%dma_wait3A_94 : memref<10240x128xf32, #tpu.memory_space<hbm>>) dst(%arg13 : memref<40x128xf32, #tpu.memory_space<vmem>>)
    %add3A_95 = arith.constant 40 : i32
    %add3A_96 = arith.addi %mul3A_6, %add3A_95 : i32
    %dma_wait3A_97 = arith.constant 0 : i32
    %dma_wait3A_98 = tpu.memref_slice %arg3[%add3A_96, %dma_wait3A_97] : memref<320000x128xf32, #tpu.memory_space<hbm>> -> memref<40x128xf32, #tpu.memory_space<hbm>>
    %dma_wait3A_99 = arith.constant 0 : i32
    %dma_wait3A_100 = tpu.memref_slice %arg3[%add3A_96, %dma_wait3A_99] : memref<320000x128xf32, #tpu.memory_space<hbm>> -> memref<40x128xf32, #tpu.memory_space<hbm>>
    tpu.wait_dma2 semaphore(%arg20 : memref<!tpu.dma_semaphore, #tpu.memory_space<semaphore_mem>>) src(%dma_wait3A_100 : memref<40x128xf32, #tpu.memory_space<hbm>>) dst(%arg15 : memref<40x128xf32, #tpu.memory_space<vmem>>)
    %add3A_101 = arith.constant 40 : i32
    %add3A_102 = arith.addi %mul3A_6, %add3A_101 : i32
    %dma_wait3A_103 = tpu.memref_slice %arg5[%add3A_102] : memref<320000xi32, #tpu.memory_space<hbm>> -> memref<40xi32, #tpu.memory_space<hbm>>
    %dma_wait3A_104 = tpu.memref_slice %arg5[%add3A_102] : memref<320000xi32, #tpu.memory_space<hbm>> -> memref<40xi32, #tpu.memory_space<hbm>>
    tpu.wait_dma2 semaphore(%arg24 : memref<!tpu.dma_semaphore, #tpu.memory_space<semaphore_mem>>) src(%dma_wait3A_104 : memref<40xi32, #tpu.memory_space<hbm>>) dst(%arg11 : memref<40xi32, #tpu.memory_space<vmem>>)
    %scan3A_105 = arith.constant 0 : i32
    %scan3A_106 = arith.constant 0 : i32
    %scan3A_107 = arith.constant 40 : i32
    %scan3A_108 = arith.addi %scan3A_106, %scan3A_107 : i32
    %scan3A_109 = arith.constant 1 : i32
    scf.for %scan3A_202 = %scan3A_106 to %scan3A_108 step %scan3A_109  : i32 {
      %get3A = arith.index_cast %scan3A_202 : i32 to index
      %get3A_203 = arith.constant 0 : index
      %get3A_204 = tpu.vector_load %arg13[%get3A, %get3A_203] {strides = array<i32>} : memref<40x128xf32, #tpu.memory_space<vmem>>, vector<1x16xf32>,
      %get3A_205 = vector.shape_cast %get3A_204 : vector<1x16xf32> to vector<16xf32>
      %get3A_206 = arith.index_cast %scan3A_202 : i32 to index
      %get3A_207 = arith.constant 0 : index
      %get3A_208 = tpu.vector_load %arg15[%get3A_206, %get3A_207] {strides = array<i32>} : memref<40x128xf32, #tpu.memory_space<vmem>>, vector<1x16xf32>,
      %get3A_209 = vector.shape_cast %get3A_208 : vector<1x16xf32> to vector<16xf32>
      %add3A_210 = arith.addf %get3A_205, %get3A_209 : vector<16xf32>
      %max3A = arith.constant 0.000000e+00 : f32
      %max3A_211 = vector.broadcast %max3A : f32 to vector<16xf32>
      %max3A_212 = arith.maximumf %add3A_210, %max3A_211 : vector<16xf32>
      %swap3A = arith.index_cast %scan3A_202 : i32 to index
      %swap3A_213 = arith.constant 0 : index
      %swap3A_214 = tpu.vector_load %arg13[%swap3A, %swap3A_213] {strides = array<i32>} : memref<40x128xf32, #tpu.memory_space<vmem>>, vector<1x16xf32>,
      %swap3A_215 = vector.shape_cast %swap3A_214 : vector<1x16xf32> to vector<16xf32>
      %swap3A_216 = vector.shape_cast %max3A_212 : vector<16xf32> to vector<1x16xf32>
      tpu.vector_store %arg13[%swap3A, %swap3A_213], %swap3A_216 {strides = array<i32>} : memref<40x128xf32, #tpu.memory_space<vmem>>, vector<1x16xf32>,
      %get3A_217 = arith.index_cast %scan3A_202 : i32 to index
      %get3A_218 = arith.constant 16 : index
      %get3A_219 = tpu.vector_load %arg13[%get3A_217, %get3A_218] {strides = array<i32>} : memref<40x128xf32, #tpu.memory_space<vmem>>, vector<1x16xf32>,
      %get3A_220 = vector.shape_cast %get3A_219 : vector<1x16xf32> to vector<16xf32>
      %get3A_221 = arith.index_cast %scan3A_202 : i32 to index
      %get3A_222 = arith.constant 16 : index
      %get3A_223 = tpu.vector_load %arg15[%get3A_221, %get3A_222] {strides = array<i32>} : memref<40x128xf32, #tpu.memory_space<vmem>>, vector<1x16xf32>,
      %get3A_224 = vector.shape_cast %get3A_223 : vector<1x16xf32> to vector<16xf32>
      %add3A_225 = arith.addf %get3A_220, %get3A_224 : vector<16xf32>
      %max3A_226 = arith.constant 0.000000e+00 : f32
      %max3A_227 = vector.broadcast %max3A_226 : f32 to vector<16xf32>
      %max3A_228 = arith.maximumf %add3A_225, %max3A_227 : vector<16xf32>
      %swap3A_229 = arith.index_cast %scan3A_202 : i32 to index
      %swap3A_230 = arith.constant 16 : index
      %swap3A_231 = tpu.vector_load %arg13[%swap3A_229, %swap3A_230] {strides = array<i32>} : memref<40x128xf32, #tpu.memory_space<vmem>>, vector<1x16xf32>,
      %swap3A_232 = vector.shape_cast %swap3A_231 : vector<1x16xf32> to vector<16xf32>
      %swap3A_233 = vector.shape_cast %max3A_228 : vector<16xf32> to vector<1x16xf32>
      tpu.vector_store %arg13[%swap3A_229, %swap3A_230], %swap3A_233 {strides = array<i32>} : memref<40x128xf32, #tpu.memory_space<vmem>>, vector<1x16xf32>,
      %get3A_234 = arith.index_cast %scan3A_202 : i32 to index
      %get3A_235 = arith.constant 32 : index
      %get3A_236 = tpu.vector_load %arg13[%get3A_234, %get3A_235] {strides = array<i32>} : memref<40x128xf32, #tpu.memory_space<vmem>>, vector<1x16xf32>,
      %get3A_237 = vector.shape_cast %get3A_236 : vector<1x16xf32> to vector<16xf32>
      %get3A_238 = arith.index_cast %scan3A_202 : i32 to index
      %get3A_239 = arith.constant 32 : index
      %get3A_240 = tpu.vector_load %arg15[%get3A_238, %get3A_239] {strides = array<i32>} : memref<40x128xf32, #tpu.memory_space<vmem>>, vector<1x16xf32>,
      %get3A_241 = vector.shape_cast %get3A_240 : vector<1x16xf32> to vector<16xf32>
      %add3A_242 = arith.addf %get3A_237, %get3A_241 : vector<16xf32>
      %max3A_243 = arith.constant 0.000000e+00 : f32
      %max3A_244 = vector.broadcast %max3A_243 : f32 to vector<16xf32>
      %max3A_245 = arith.maximumf %add3A_242, %max3A_244 : vector<16xf32>
      %swap3A_246 = arith.index_cast %scan3A_202 : i32 to index
      %swap3A_247 = arith.constant 32 : index
      %swap3A_248 = tpu.vector_load %arg13[%swap3A_246, %swap3A_247] {strides = array<i32>} : memref<40x128xf32, #tpu.memory_space<vmem>>, vector<1x16xf32>,
      %swap3A_249 = vector.shape_cast %swap3A_248 : vector<1x16xf32> to vector<16xf32>
      %swap3A_250 = vector.shape_cast %max3A_245 : vector<16xf32> to vector<1x16xf32>
      tpu.vector_store %arg13[%swap3A_246, %swap3A_247], %swap3A_250 {strides = array<i32>} : memref<40x128xf32, #tpu.memory_space<vmem>>, vector<1x16xf32>,
      %get3A_251 = arith.index_cast %scan3A_202 : i32 to index
      %get3A_252 = arith.constant 48 : index
      %get3A_253 = tpu.vector_load %arg13[%get3A_251, %get3A_252] {strides = array<i32>} : memref<40x128xf32, #tpu.memory_space<vmem>>, vector<1x16xf32>,
      %get3A_254 = vector.shape_cast %get3A_253 : vector<1x16xf32> to vector<16xf32>
      %get3A_255 = arith.index_cast %scan3A_202 : i32 to index
      %get3A_256 = arith.constant 48 : index
      %get3A_257 = tpu.vector_load %arg15[%get3A_255, %get3A_256] {strides = array<i32>} : memref<40x128xf32, #tpu.memory_space<vmem>>, vector<1x16xf32>,
      %get3A_258 = vector.shape_cast %get3A_257 : vector<1x16xf32> to vector<16xf32>
      %add3A_259 = arith.addf %get3A_254, %get3A_258 : vector<16xf32>
      %max3A_260 = arith.constant 0.000000e+00 : f32
      %max3A_261 = vector.broadcast %max3A_260 : f32 to vector<16xf32>
      %max3A_262 = arith.maximumf %add3A_259, %max3A_261 : vector<16xf32>
      %swap3A_263 = arith.index_cast %scan3A_202 : i32 to index
      %swap3A_264 = arith.constant 48 : index
      %swap3A_265 = tpu.vector_load %arg13[%swap3A_263, %swap3A_264] {strides = array<i32>} : memref<40x128xf32, #tpu.memory_space<vmem>>, vector<1x16xf32>,
      %swap3A_266 = vector.shape_cast %swap3A_265 : vector<1x16xf32> to vector<16xf32>
      %swap3A_267 = vector.shape_cast %max3A_262 : vector<16xf32> to vector<1x16xf32>
      tpu.vector_store %arg13[%swap3A_263, %swap3A_264], %swap3A_267 {strides = array<i32>} : memref<40x128xf32, #tpu.memory_space<vmem>>, vector<1x16xf32>,
      %get3A_268 = arith.index_cast %scan3A_202 : i32 to index
      %get3A_269 = arith.constant 64 : index
      %get3A_270 = tpu.vector_load %arg13[%get3A_268, %get3A_269] {strides = array<i32>} : memref<40x128xf32, #tpu.memory_space<vmem>>, vector<1x16xf32>,
      %get3A_271 = vector.shape_cast %get3A_270 : vector<1x16xf32> to vector<16xf32>
      %get3A_272 = arith.index_cast %scan3A_202 : i32 to index
      %get3A_273 = arith.constant 64 : index
      %get3A_274 = tpu.vector_load %arg15[%get3A_272, %get3A_273] {strides = array<i32>} : memref<40x128xf32, #tpu.memory_space<vmem>>, vector<1x16xf32>,
      %get3A_275 = vector.shape_cast %get3A_274 : vector<1x16xf32> to vector<16xf32>
      %add3A_276 = arith.addf %get3A_271, %get3A_275 : vector<16xf32>
      %max3A_277 = arith.constant 0.000000e+00 : f32
      %max3A_278 = vector.broadcast %max3A_277 : f32 to vector<16xf32>
      %max3A_279 = arith.maximumf %add3A_276, %max3A_278 : vector<16xf32>
      %swap3A_280 = arith.index_cast %scan3A_202 : i32 to index
      %swap3A_281 = arith.constant 64 : index
      %swap3A_282 = tpu.vector_load %arg13[%swap3A_280, %swap3A_281] {strides = array<i32>} : memref<40x128xf32, #tpu.memory_space<vmem>>, vector<1x16xf32>,
      %swap3A_283 = vector.shape_cast %swap3A_282 : vector<1x16xf32> to vector<16xf32>
      %swap3A_284 = vector.shape_cast %max3A_279 : vector<16xf32> to vector<1x16xf32>
      tpu.vector_store %arg13[%swap3A_280, %swap3A_281], %swap3A_284 {strides = array<i32>} : memref<40x128xf32, #tpu.memory_space<vmem>>, vector<1x16xf32>,
      %get3A_285 = arith.index_cast %scan3A_202 : i32 to index
      %get3A_286 = arith.constant 80 : index
      %get3A_287 = tpu.vector_load %arg13[%get3A_285, %get3A_286] {strides = array<i32>} : memref<40x128xf32, #tpu.memory_space<vmem>>, vector<1x16xf32>,
      %get3A_288 = vector.shape_cast %get3A_287 : vector<1x16xf32> to vector<16xf32>
      %get3A_289 = arith.index_cast %scan3A_202 : i32 to index
      %get3A_290 = arith.constant 80 : index
      %get3A_291 = tpu.vector_load %arg15[%get3A_289, %get3A_290] {strides = array<i32>} : memref<40x128xf32, #tpu.memory_space<vmem>>, vector<1x16xf32>,
      %get3A_292 = vector.shape_cast %get3A_291 : vector<1x16xf32> to vector<16xf32>
      %add3A_293 = arith.addf %get3A_288, %get3A_292 : vector<16xf32>
      %max3A_294 = arith.constant 0.000000e+00 : f32
      %max3A_295 = vector.broadcast %max3A_294 : f32 to vector<16xf32>
      %max3A_296 = arith.maximumf %add3A_293, %max3A_295 : vector<16xf32>
      %swap3A_297 = arith.index_cast %scan3A_202 : i32 to index
      %swap3A_298 = arith.constant 80 : index
      %swap3A_299 = tpu.vector_load %arg13[%swap3A_297, %swap3A_298] {strides = array<i32>} : memref<40x128xf32, #tpu.memory_space<vmem>>, vector<1x16xf32>,
      %swap3A_300 = vector.shape_cast %swap3A_299 : vector<1x16xf32> to vector<16xf32>
      %swap3A_301 = vector.shape_cast %max3A_296 : vector<16xf32> to vector<1x16xf32>
      tpu.vector_store %arg13[%swap3A_297, %swap3A_298], %swap3A_301 {strides = array<i32>} : memref<40x128xf32, #tpu.memory_space<vmem>>, vector<1x16xf32>,
      %get3A_302 = arith.index_cast %scan3A_202 : i32 to index
      %get3A_303 = arith.constant 96 : index
      %get3A_304 = tpu.vector_load %arg13[%get3A_302, %get3A_303] {strides = array<i32>} : memref<40x128xf32, #tpu.memory_space<vmem>>, vector<1x16xf32>,
      %get3A_305 = vector.shape_cast %get3A_304 : vector<1x16xf32> to vector<16xf32>
      %get3A_306 = arith.index_cast %scan3A_202 : i32 to index
      %get3A_307 = arith.constant 96 : index
      %get3A_308 = tpu.vector_load %arg15[%get3A_306, %get3A_307] {strides = array<i32>} : memref<40x128xf32, #tpu.memory_space<vmem>>, vector<1x16xf32>,
      %get3A_309 = vector.shape_cast %get3A_308 : vector<1x16xf32> to vector<16xf32>
      %add3A_310 = arith.addf %get3A_305, %get3A_309 : vector<16xf32>
      %max3A_311 = arith.constant 0.000000e+00 : f32
      %max3A_312 = vector.broadcast %max3A_311 : f32 to vector<16xf32>
      %max3A_313 = arith.maximumf %add3A_310, %max3A_312 : vector<16xf32>
      %swap3A_314 = arith.index_cast %scan3A_202 : i32 to index
      %swap3A_315 = arith.constant 96 : index
      %swap3A_316 = tpu.vector_load %arg13[%swap3A_314, %swap3A_315] {strides = array<i32>} : memref<40x128xf32, #tpu.memory_space<vmem>>, vector<1x16xf32>,
      %swap3A_317 = vector.shape_cast %swap3A_316 : vector<1x16xf32> to vector<16xf32>
      %swap3A_318 = vector.shape_cast %max3A_313 : vector<16xf32> to vector<1x16xf32>
      tpu.vector_store %arg13[%swap3A_314, %swap3A_315], %swap3A_318 {strides = array<i32>} : memref<40x128xf32, #tpu.memory_space<vmem>>, vector<1x16xf32>,
      %get3A_319 = arith.index_cast %scan3A_202 : i32 to index
      %get3A_320 = arith.constant 112 : index
      %get3A_321 = tpu.vector_load %arg13[%get3A_319, %get3A_320] {strides = array<i32>} : memref<40x128xf32, #tpu.memory_space<vmem>>, vector<1x16xf32>,
      %get3A_322 = vector.shape_cast %get3A_321 : vector<1x16xf32> to vector<16xf32>
      %get3A_323 = arith.index_cast %scan3A_202 : i32 to index
      %get3A_324 = arith.constant 112 : index
      %get3A_325 = tpu.vector_load %arg15[%get3A_323, %get3A_324] {strides = array<i32>} : memref<40x128xf32, #tpu.memory_space<vmem>>, vector<1x16xf32>,
      %get3A_326 = vector.shape_cast %get3A_325 : vector<1x16xf32> to vector<16xf32>
      %add3A_327 = arith.addf %get3A_322, %get3A_326 : vector<16xf32>
      %max3A_328 = arith.constant 0.000000e+00 : f32
      %max3A_329 = vector.broadcast %max3A_328 : f32 to vector<16xf32>
      %max3A_330 = arith.maximumf %add3A_327, %max3A_329 : vector<16xf32>
      %swap3A_331 = arith.index_cast %scan3A_202 : i32 to index
      %swap3A_332 = arith.constant 112 : index
      %swap3A_333 = tpu.vector_load %arg13[%swap3A_331, %swap3A_332] {strides = array<i32>} : memref<40x128xf32, #tpu.memory_space<vmem>>, vector<1x16xf32>,
      %swap3A_334 = vector.shape_cast %swap3A_333 : vector<1x16xf32> to vector<16xf32>
      %swap3A_335 = vector.shape_cast %max3A_330 : vector<16xf32> to vector<1x16xf32>
      tpu.vector_store %arg13[%swap3A_331, %swap3A_332], %swap3A_335 {strides = array<i32>} : memref<40x128xf32, #tpu.memory_space<vmem>>, vector<1x16xf32>,
    }
    %scan3A_110 = arith.constant 40 : i32
    %dma_start3A_111 = arith.constant 0 : i32
    %dma_start3A_112 = arith.constant 0 : i32
    %dma_start3A_113 = tpu.memref_slice %arg16[%dma_start3A_111, %dma_start3A_112] : memref<10240x128xf32, #tpu.memory_space<vmem_shared>> -> memref<10240x128xf32, #tpu.memory_space<vmem_shared>>
    tpu.enqueue_indirect_dma source(%arg13 : memref<40x128xf32, #tpu.memory_space<vmem>>) target(%dma_start3A_113 : memref<10240x128xf32, #tpu.memory_space<vmem_shared>>) offsets(%arg11 : memref<40xi32, #tpu.memory_space<vmem>>) semaphore(%arg26 : memref<!tpu.dma_semaphore, #tpu.memory_space<semaphore_mem>>) {add = true}
    %add3A_114 = arith.constant 120 : i32
    %add3A_115 = arith.addi %mul3A_6, %add3A_114 : i32
    %dma_start3A_116 = tpu.memref_slice %arg4[%add3A_115] : memref<320000xi32, #tpu.memory_space<hbm>> -> memref<40xi32, #tpu.memory_space<hbm>>
    %dma_start3A_117 = tpu.memref_slice %arg4[%add3A_115] : memref<320000xi32, #tpu.memory_space<hbm>> -> memref<40xi32, #tpu.memory_space<hbm>>
    tpu.enqueue_dma source(%dma_start3A_117 : memref<40xi32, #tpu.memory_space<hbm>>) target(%arg9 : memref<40xi32, #tpu.memory_space<vmem>>) target_semaphore(%arg22 : memref<!tpu.dma_semaphore, #tpu.memory_space<semaphore_mem>>)
    %scan3A_118 = arith.constant 0 : i32
    %scan3A_119 = arith.constant 0 : i32
    %scan3A_120 = arith.constant 123 : i32
    %scan3A_121 = arith.addi %scan3A_119, %scan3A_120 : i32
    %scan3A_122 = arith.constant 1 : i32
    scf.for %scan3A_202 = %scan3A_119 to %scan3A_121 step %scan3A_122  : i32 {
      %mul3A_203 = arith.constant 2 : i32
      %mul3A_204 = arith.muli %mul3A_203, %scan3A_202 : i32
      %add3A_205 = arith.constant 2 : i32
      %add3A_206 = arith.addi %mul3A_204, %add3A_205 : i32
      %add3A_207 = arith.constant 1 : i32
      %add3A_208 = arith.addi %add3A_206, %add3A_207 : i32
      %mul3A_209 = arith.constant 40 : i32
      %mul3A_210 = arith.muli %add3A_208, %mul3A_209 : i32
      %add3A_211 = arith.addi %mul3A_6, %mul3A_210 : i32
      %dma_wait3A_212 = tpu.memref_slice %arg4[%add3A_211] : memref<320000xi32, #tpu.memory_space<hbm>> -> memref<40xi32, #tpu.memory_space<hbm>>
      %dma_wait3A_213 = tpu.memref_slice %arg4[%add3A_211] : memref<320000xi32, #tpu.memory_space<hbm>> -> memref<40xi32, #tpu.memory_space<hbm>>
      tpu.wait_dma2 semaphore(%arg22 : memref<!tpu.dma_semaphore, #tpu.memory_space<semaphore_mem>>) src(%dma_wait3A_213 : memref<40xi32, #tpu.memory_space<hbm>>) dst(%arg9 : memref<40xi32, #tpu.memory_space<vmem>>)
      %dma_wait3A_214 = arith.constant 0 : i32
      %dma_wait3A_215 = arith.constant 0 : i32
      %dma_wait3A_216 = tpu.memref_slice %arg16[%dma_wait3A_214, %dma_wait3A_215] : memref<10240x128xf32, #tpu.memory_space<vmem_shared>> -> memref<10240x128xf32, #tpu.memory_space<vmem_shared>>
      tpu.wait_indirect_dma semaphore(%arg26 : memref<!tpu.dma_semaphore, #tpu.memory_space<semaphore_mem>>) src(%arg13 : memref<40x128xf32, #tpu.memory_space<vmem>>) dst(%dma_wait3A_216 : memref<10240x128xf32, #tpu.memory_space<vmem_shared>>)
      %add3A_217 = arith.constant 1 : i32
      %add3A_218 = arith.addi %add3A_206, %add3A_217 : i32
      %mul3A_219 = arith.constant 40 : i32
      %mul3A_220 = arith.muli %add3A_218, %mul3A_219 : i32
      %add3A_221 = arith.addi %mul3A_6, %mul3A_220 : i32
      %dma_start3A_222 = tpu.memref_slice %arg5[%add3A_221] : memref<320000xi32, #tpu.memory_space<hbm>> -> memref<40xi32, #tpu.memory_space<hbm>>
      %dma_start3A_223 = tpu.memref_slice %arg5[%add3A_221] : memref<320000xi32, #tpu.memory_space<hbm>> -> memref<40xi32, #tpu.memory_space<hbm>>
      tpu.enqueue_dma source(%dma_start3A_223 : memref<40xi32, #tpu.memory_space<hbm>>) target(%arg11 : memref<40xi32, #tpu.memory_space<vmem>>) target_semaphore(%arg24 : memref<!tpu.dma_semaphore, #tpu.memory_space<semaphore_mem>>)
      %add3A_224 = arith.constant 1 : i32
      %add3A_225 = arith.addi %add3A_206, %add3A_224 : i32
      %dma_start3A_226 = arith.constant 0 : i32
      %dma_start3A_227 = arith.constant 0 : i32
      %dma_start3A_228 = tpu.memref_slice %arg2[%dma_start3A_226, %dma_start3A_227] : memref<10240x128xf32, #tpu.memory_space<hbm>> -> memref<10240x128xf32, #tpu.memory_space<hbm>>
      tpu.enqueue_indirect_dma source(%dma_start3A_228 : memref<10240x128xf32, #tpu.memory_space<hbm>>) target(%arg13 : memref<40x128xf32, #tpu.memory_space<vmem>>) offsets(%arg9 : memref<40xi32, #tpu.memory_space<vmem>>) semaphore(%arg18 : memref<!tpu.dma_semaphore, #tpu.memory_space<semaphore_mem>>)
      %mul3A_229 = arith.constant 40 : i32
      %mul3A_230 = arith.muli %add3A_225, %mul3A_229 : i32
      %add3A_231 = arith.addi %mul3A_6, %mul3A_230 : i32
      %dma_start3A_232 = arith.constant 0 : i32
      %dma_start3A_233 = tpu.memref_slice %arg3[%add3A_231, %dma_start3A_232] : memref<320000x128xf32, #tpu.memory_space<hbm>> -> memref<40x128xf32, #tpu.memory_space<hbm>>
      %dma_start3A_234 = arith.constant 0 : i32
      %dma_start3A_235 = tpu.memref_slice %arg3[%add3A_231, %dma_start3A_234] : memref<320000x128xf32, #tpu.memory_space<hbm>> -> memref<40x128xf32, #tpu.memory_space<hbm>>
      tpu.enqueue_dma source(%dma_start3A_235 : memref<40x128xf32, #tpu.memory_space<hbm>>) target(%arg15 : memref<40x128xf32, #tpu.memory_space<vmem>>) target_semaphore(%arg20 : memref<!tpu.dma_semaphore, #tpu.memory_space<semaphore_mem>>)
      %dma_wait3A_236 = arith.constant 0 : i32
      %dma_wait3A_237 = arith.constant 0 : i32
      %dma_wait3A_238 = tpu.memref_slice %arg2[%dma_wait3A_236, %dma_wait3A_237] : memref<10240x128xf32, #tpu.memory_space<hbm>> -> memref<10240x128xf32, #tpu.memory_space<hbm>>
      tpu.wait_indirect_dma semaphore(%arg17 : memref<!tpu.dma_semaphore, #tpu.memory_space<semaphore_mem>>) src(%dma_wait3A_238 : memref<10240x128xf32, #tpu.memory_space<hbm>>) dst(%arg12 : memref<40x128xf32, #tpu.memory_space<vmem>>)
      %mul3A_239 = arith.constant 40 : i32
      %mul3A_240 = arith.muli %add3A_206, %mul3A_239 : i32
      %add3A_241 = arith.addi %mul3A_6, %mul3A_240 : i32
      %dma_wait3A_242 = arith.constant 0 : i32
      %dma_wait3A_243 = tpu.memref_slice %arg3[%add3A_241, %dma_wait3A_242] : memref<320000x128xf32, #tpu.memory_space<hbm>> -> memref<40x128xf32, #tpu.memory_space<hbm>>
      %dma_wait3A_244 = arith.constant 0 : i32
      %dma_wait3A_245 = tpu.memref_slice %arg3[%add3A_241, %dma_wait3A_244] : memref<320000x128xf32, #tpu.memory_space<hbm>> -> memref<40x128xf32, #tpu.memory_space<hbm>>
      tpu.wait_dma2 semaphore(%arg19 : memref<!tpu.dma_semaphore, #tpu.memory_space<semaphore_mem>>) src(%dma_wait3A_245 : memref<40x128xf32, #tpu.memory_space<hbm>>) dst(%arg14 : memref<40x128xf32, #tpu.memory_space<vmem>>)
      %mul3A_246 = arith.constant 40 : i32
      %mul3A_247 = arith.muli %add3A_206, %mul3A_246 : i32
      %add3A_248 = arith.addi %mul3A_6, %mul3A_247 : i32
      %dma_wait3A_249 = tpu.memref_slice %arg5[%add3A_248] : memref<320000xi32, #tpu.memory_space<hbm>> -> memref<40xi32, #tpu.memory_space<hbm>>
      %dma_wait3A_250 = tpu.memref_slice %arg5[%add3A_248] : memref<320000xi32, #tpu.memory_space<hbm>> -> memref<40xi32, #tpu.memory_space<hbm>>
      tpu.wait_dma2 semaphore(%arg23 : memref<!tpu.dma_semaphore, #tpu.memory_space<semaphore_mem>>) src(%dma_wait3A_250 : memref<40xi32, #tpu.memory_space<hbm>>) dst(%arg10 : memref<40xi32, #tpu.memory_space<vmem>>)
      %scan3A_251 = arith.constant 0 : i32
      %scan3A_252 = arith.constant 0 : i32
      %scan3A_253 = arith.constant 40 : i32
      %scan3A_254 = arith.addi %scan3A_252, %scan3A_253 : i32
      %scan3A_255 = arith.constant 1 : i32
      scf.for %scan3A_329 = %scan3A_252 to %scan3A_254 step %scan3A_255  : i32 {
        %get3A = arith.index_cast %scan3A_329 : i32 to index
        %get3A_330 = arith.constant 0 : index
        %get3A_331 = tpu.vector_load %arg12[%get3A, %get3A_330] {strides = array<i32>} : memref<40x128xf32, #tpu.memory_space<vmem>>, vector<1x16xf32>,
        %get3A_332 = vector.shape_cast %get3A_331 : vector<1x16xf32> to vector<16xf32>
        %get3A_333 = arith.index_cast %scan3A_329 : i32 to index
        %get3A_334 = arith.constant 0 : index
        %get3A_335 = tpu.vector_load %arg14[%get3A_333, %get3A_334] {strides = array<i32>} : memref<40x128xf32, #tpu.memory_space<vmem>>, vector<1x16xf32>,
        %get3A_336 = vector.shape_cast %get3A_335 : vector<1x16xf32> to vector<16xf32>
        %add3A_337 = arith.addf %get3A_332, %get3A_336 : vector<16xf32>
        %max3A = arith.constant 0.000000e+00 : f32
        %max3A_338 = vector.broadcast %max3A : f32 to vector<16xf32>
        %max3A_339 = arith.maximumf %add3A_337, %max3A_338 : vector<16xf32>
        %swap3A = arith.index_cast %scan3A_329 : i32 to index
        %swap3A_340 = arith.constant 0 : index
        %swap3A_341 = tpu.vector_load %arg12[%swap3A, %swap3A_340] {strides = array<i32>} : memref<40x128xf32, #tpu.memory_space<vmem>>, vector<1x16xf32>,
        %swap3A_342 = vector.shape_cast %swap3A_341 : vector<1x16xf32> to vector<16xf32>
        %swap3A_343 = vector.shape_cast %max3A_339 : vector<16xf32> to vector<1x16xf32>
        tpu.vector_store %arg12[%swap3A, %swap3A_340], %swap3A_343 {strides = array<i32>} : memref<40x128xf32, #tpu.memory_space<vmem>>, vector<1x16xf32>,
        %get3A_344 = arith.index_cast %scan3A_329 : i32 to index
        %get3A_345 = arith.constant 16 : index
        %get3A_346 = tpu.vector_load %arg12[%get3A_344, %get3A_345] {strides = array<i32>} : memref<40x128xf32, #tpu.memory_space<vmem>>, vector<1x16xf32>,
        %get3A_347 = vector.shape_cast %get3A_346 : vector<1x16xf32> to vector<16xf32>
        %get3A_348 = arith.index_cast %scan3A_329 : i32 to index
        %get3A_349 = arith.constant 16 : index
        %get3A_350 = tpu.vector_load %arg14[%get3A_348, %get3A_349] {strides = array<i32>} : memref<40x128xf32, #tpu.memory_space<vmem>>, vector<1x16xf32>,
        %get3A_351 = vector.shape_cast %get3A_350 : vector<1x16xf32> to vector<16xf32>
        %add3A_352 = arith.addf %get3A_347, %get3A_351 : vector<16xf32>
        %max3A_353 = arith.constant 0.000000e+00 : f32
        %max3A_354 = vector.broadcast %max3A_353 : f32 to vector<16xf32>
        %max3A_355 = arith.maximumf %add3A_352, %max3A_354 : vector<16xf32>
        %swap3A_356 = arith.index_cast %scan3A_329 : i32 to index
        %swap3A_357 = arith.constant 16 : index
        %swap3A_358 = tpu.vector_load %arg12[%swap3A_356, %swap3A_357] {strides = array<i32>} : memref<40x128xf32, #tpu.memory_space<vmem>>, vector<1x16xf32>,
        %swap3A_359 = vector.shape_cast %swap3A_358 : vector<1x16xf32> to vector<16xf32>
        %swap3A_360 = vector.shape_cast %max3A_355 : vector<16xf32> to vector<1x16xf32>
        tpu.vector_store %arg12[%swap3A_356, %swap3A_357], %swap3A_360 {strides = array<i32>} : memref<40x128xf32, #tpu.memory_space<vmem>>, vector<1x16xf32>,
        %get3A_361 = arith.index_cast %scan3A_329 : i32 to index
        %get3A_362 = arith.constant 32 : index
        %get3A_363 = tpu.vector_load %arg12[%get3A_361, %get3A_362] {strides = array<i32>} : memref<40x128xf32, #tpu.memory_space<vmem>>, vector<1x16xf32>,
        %get3A_364 = vector.shape_cast %get3A_363 : vector<1x16xf32> to vector<16xf32>
        %get3A_365 = arith.index_cast %scan3A_329 : i32 to index
        %get3A_366 = arith.constant 32 : index
        %get3A_367 = tpu.vector_load %arg14[%get3A_365, %get3A_366] {strides = array<i32>} : memref<40x128xf32, #tpu.memory_space<vmem>>, vector<1x16xf32>,
        %get3A_368 = vector.shape_cast %get3A_367 : vector<1x16xf32> to vector<16xf32>
        %add3A_369 = arith.addf %get3A_364, %get3A_368 : vector<16xf32>
        %max3A_370 = arith.constant 0.000000e+00 : f32
        %max3A_371 = vector.broadcast %max3A_370 : f32 to vector<16xf32>
        %max3A_372 = arith.maximumf %add3A_369, %max3A_371 : vector<16xf32>
        %swap3A_373 = arith.index_cast %scan3A_329 : i32 to index
        %swap3A_374 = arith.constant 32 : index
        %swap3A_375 = tpu.vector_load %arg12[%swap3A_373, %swap3A_374] {strides = array<i32>} : memref<40x128xf32, #tpu.memory_space<vmem>>, vector<1x16xf32>,
        %swap3A_376 = vector.shape_cast %swap3A_375 : vector<1x16xf32> to vector<16xf32>
        %swap3A_377 = vector.shape_cast %max3A_372 : vector<16xf32> to vector<1x16xf32>
        tpu.vector_store %arg12[%swap3A_373, %swap3A_374], %swap3A_377 {strides = array<i32>} : memref<40x128xf32, #tpu.memory_space<vmem>>, vector<1x16xf32>,
        %get3A_378 = arith.index_cast %scan3A_329 : i32 to index
        %get3A_379 = arith.constant 48 : index
        %get3A_380 = tpu.vector_load %arg12[%get3A_378, %get3A_379] {strides = array<i32>} : memref<40x128xf32, #tpu.memory_space<vmem>>, vector<1x16xf32>,
        %get3A_381 = vector.shape_cast %get3A_380 : vector<1x16xf32> to vector<16xf32>
        %get3A_382 = arith.index_cast %scan3A_329 : i32 to index
        %get3A_383 = arith.constant 48 : index
        %get3A_384 = tpu.vector_load %arg14[%get3A_382, %get3A_383] {strides = array<i32>} : memref<40x128xf32, #tpu.memory_space<vmem>>, vector<1x16xf32>,
        %get3A_385 = vector.shape_cast %get3A_384 : vector<1x16xf32> to vector<16xf32>
        %add3A_386 = arith.addf %get3A_381, %get3A_385 : vector<16xf32>
        %max3A_387 = arith.constant 0.000000e+00 : f32
        %max3A_388 = vector.broadcast %max3A_387 : f32 to vector<16xf32>
        %max3A_389 = arith.maximumf %add3A_386, %max3A_388 : vector<16xf32>
        %swap3A_390 = arith.index_cast %scan3A_329 : i32 to index
        %swap3A_391 = arith.constant 48 : index
        %swap3A_392 = tpu.vector_load %arg12[%swap3A_390, %swap3A_391] {strides = array<i32>} : memref<40x128xf32, #tpu.memory_space<vmem>>, vector<1x16xf32>,
        %swap3A_393 = vector.shape_cast %swap3A_392 : vector<1x16xf32> to vector<16xf32>
        %swap3A_394 = vector.shape_cast %max3A_389 : vector<16xf32> to vector<1x16xf32>
        tpu.vector_store %arg12[%swap3A_390, %swap3A_391], %swap3A_394 {strides = array<i32>} : memref<40x128xf32, #tpu.memory_space<vmem>>, vector<1x16xf32>,
        %get3A_395 = arith.index_cast %scan3A_329 : i32 to index
        %get3A_396 = arith.constant 64 : index
        %get3A_397 = tpu.vector_load %arg12[%get3A_395, %get3A_396] {strides = array<i32>} : memref<40x128xf32, #tpu.memory_space<vmem>>, vector<1x16xf32>,
        %get3A_398 = vector.shape_cast %get3A_397 : vector<1x16xf32> to vector<16xf32>
        %get3A_399 = arith.index_cast %scan3A_329 : i32 to index
        %get3A_400 = arith.constant 64 : index
        %get3A_401 = tpu.vector_load %arg14[%get3A_399, %get3A_400] {strides = array<i32>} : memref<40x128xf32, #tpu.memory_space<vmem>>, vector<1x16xf32>,
        %get3A_402 = vector.shape_cast %get3A_401 : vector<1x16xf32> to vector<16xf32>
        %add3A_403 = arith.addf %get3A_398, %get3A_402 : vector<16xf32>
        %max3A_404 = arith.constant 0.000000e+00 : f32
        %max3A_405 = vector.broadcast %max3A_404 : f32 to vector<16xf32>
        %max3A_406 = arith.maximumf %add3A_403, %max3A_405 : vector<16xf32>
        %swap3A_407 = arith.index_cast %scan3A_329 : i32 to index
        %swap3A_408 = arith.constant 64 : index
        %swap3A_409 = tpu.vector_load %arg12[%swap3A_407, %swap3A_408] {strides = array<i32>} : memref<40x128xf32, #tpu.memory_space<vmem>>, vector<1x16xf32>,
        %swap3A_410 = vector.shape_cast %swap3A_409 : vector<1x16xf32> to vector<16xf32>
        %swap3A_411 = vector.shape_cast %max3A_406 : vector<16xf32> to vector<1x16xf32>
        tpu.vector_store %arg12[%swap3A_407, %swap3A_408], %swap3A_411 {strides = array<i32>} : memref<40x128xf32, #tpu.memory_space<vmem>>, vector<1x16xf32>,
        %get3A_412 = arith.index_cast %scan3A_329 : i32 to index
        %get3A_413 = arith.constant 80 : index
        %get3A_414 = tpu.vector_load %arg12[%get3A_412, %get3A_413] {strides = array<i32>} : memref<40x128xf32, #tpu.memory_space<vmem>>, vector<1x16xf32>,
        %get3A_415 = vector.shape_cast %get3A_414 : vector<1x16xf32> to vector<16xf32>
        %get3A_416 = arith.index_cast %scan3A_329 : i32 to index
        %get3A_417 = arith.constant 80 : index
        %get3A_418 = tpu.vector_load %arg14[%get3A_416, %get3A_417] {strides = array<i32>} : memref<40x128xf32, #tpu.memory_space<vmem>>, vector<1x16xf32>,
        %get3A_419 = vector.shape_cast %get3A_418 : vector<1x16xf32> to vector<16xf32>
        %add3A_420 = arith.addf %get3A_415, %get3A_419 : vector<16xf32>
        %max3A_421 = arith.constant 0.000000e+00 : f32
        %max3A_422 = vector.broadcast %max3A_421 : f32 to vector<16xf32>
        %max3A_423 = arith.maximumf %add3A_420, %max3A_422 : vector<16xf32>
        %swap3A_424 = arith.index_cast %scan3A_329 : i32 to index
        %swap3A_425 = arith.constant 80 : index
        %swap3A_426 = tpu.vector_load %arg12[%swap3A_424, %swap3A_425] {strides = array<i32>} : memref<40x128xf32, #tpu.memory_space<vmem>>, vector<1x16xf32>,
        %swap3A_427 = vector.shape_cast %swap3A_426 : vector<1x16xf32> to vector<16xf32>
        %swap3A_428 = vector.shape_cast %max3A_423 : vector<16xf32> to vector<1x16xf32>
        tpu.vector_store %arg12[%swap3A_424, %swap3A_425], %swap3A_428 {strides = array<i32>} : memref<40x128xf32, #tpu.memory_space<vmem>>, vector<1x16xf32>,
        %get3A_429 = arith.index_cast %scan3A_329 : i32 to index
        %get3A_430 = arith.constant 96 : index
        %get3A_431 = tpu.vector_load %arg12[%get3A_429, %get3A_430] {strides = array<i32>} : memref<40x128xf32, #tpu.memory_space<vmem>>, vector<1x16xf32>,
        %get3A_432 = vector.shape_cast %get3A_431 : vector<1x16xf32> to vector<16xf32>
        %get3A_433 = arith.index_cast %scan3A_329 : i32 to index
        %get3A_434 = arith.constant 96 : index
        %get3A_435 = tpu.vector_load %arg14[%get3A_433, %get3A_434] {strides = array<i32>} : memref<40x128xf32, #tpu.memory_space<vmem>>, vector<1x16xf32>,
        %get3A_436 = vector.shape_cast %get3A_435 : vector<1x16xf32> to vector<16xf32>
        %add3A_437 = arith.addf %get3A_432, %get3A_436 : vector<16xf32>
        %max3A_438 = arith.constant 0.000000e+00 : f32
        %max3A_439 = vector.broadcast %max3A_438 : f32 to vector<16xf32>
        %max3A_440 = arith.maximumf %add3A_437, %max3A_439 : vector<16xf32>
        %swap3A_441 = arith.index_cast %scan3A_329 : i32 to index
        %swap3A_442 = arith.constant 96 : index
        %swap3A_443 = tpu.vector_load %arg12[%swap3A_441, %swap3A_442] {strides = array<i32>} : memref<40x128xf32, #tpu.memory_space<vmem>>, vector<1x16xf32>,
        %swap3A_444 = vector.shape_cast %swap3A_443 : vector<1x16xf32> to vector<16xf32>
        %swap3A_445 = vector.shape_cast %max3A_440 : vector<16xf32> to vector<1x16xf32>
        tpu.vector_store %arg12[%swap3A_441, %swap3A_442], %swap3A_445 {strides = array<i32>} : memref<40x128xf32, #tpu.memory_space<vmem>>, vector<1x16xf32>,
        %get3A_446 = arith.index_cast %scan3A_329 : i32 to index
        %get3A_447 = arith.constant 112 : index
        %get3A_448 = tpu.vector_load %arg12[%get3A_446, %get3A_447] {strides = array<i32>} : memref<40x128xf32, #tpu.memory_space<vmem>>, vector<1x16xf32>,
        %get3A_449 = vector.shape_cast %get3A_448 : vector<1x16xf32> to vector<16xf32>
        %get3A_450 = arith.index_cast %scan3A_329 : i32 to index
        %get3A_451 = arith.constant 112 : index
        %get3A_452 = tpu.vector_load %arg14[%get3A_450, %get3A_451] {strides = array<i32>} : memref<40x128xf32, #tpu.memory_space<vmem>>, vector<1x16xf32>,
        %get3A_453 = vector.shape_cast %get3A_452 : vector<1x16xf32> to vector<16xf32>
        %add3A_454 = arith.addf %get3A_449, %get3A_453 : vector<16xf32>
        %max3A_455 = arith.constant 0.000000e+00 : f32
        %max3A_456 = vector.broadcast %max3A_455 : f32 to vector<16xf32>
        %max3A_457 = arith.maximumf %add3A_454, %max3A_456 : vector<16xf32>
        %swap3A_458 = arith.index_cast %scan3A_329 : i32 to index
        %swap3A_459 = arith.constant 112 : index
        %swap3A_460 = tpu.vector_load %arg12[%swap3A_458, %swap3A_459] {strides = array<i32>} : memref<40x128xf32, #tpu.memory_space<vmem>>, vector<1x16xf32>,
        %swap3A_461 = vector.shape_cast %swap3A_460 : vector<1x16xf32> to vector<16xf32>
        %swap3A_462 = vector.shape_cast %max3A_457 : vector<16xf32> to vector<1x16xf32>
        tpu.vector_store %arg12[%swap3A_458, %swap3A_459], %swap3A_462 {strides = array<i32>} : memref<40x128xf32, #tpu.memory_space<vmem>>, vector<1x16xf32>,
      }
      %scan3A_256 = arith.constant 40 : i32
      %dma_start3A_257 = arith.constant 0 : i32
      %dma_start3A_258 = arith.constant 0 : i32
      %dma_start3A_259 = tpu.memref_slice %arg16[%dma_start3A_257, %dma_start3A_258] : memref<10240x128xf32, #tpu.memory_space<vmem_shared>> -> memref<10240x128xf32, #tpu.memory_space<vmem_shared>>
      tpu.enqueue_indirect_dma source(%arg12 : memref<40x128xf32, #tpu.memory_space<vmem>>) target(%dma_start3A_259 : memref<10240x128xf32, #tpu.memory_space<vmem_shared>>) offsets(%arg10 : memref<40xi32, #tpu.memory_space<vmem>>) semaphore(%arg25 : memref<!tpu.dma_semaphore, #tpu.memory_space<semaphore_mem>>) {add = true}
      %add3A_260 = arith.constant 2 : i32
      %add3A_261 = arith.addi %add3A_206, %add3A_260 : i32
      %mul3A_262 = arith.constant 40 : i32
      %mul3A_263 = arith.muli %add3A_261, %mul3A_262 : i32
      %add3A_264 = arith.addi %mul3A_6, %mul3A_263 : i32
      %dma_start3A_265 = tpu.memref_slice %arg4[%add3A_264] : memref<320000xi32, #tpu.memory_space<hbm>> -> memref<40xi32, #tpu.memory_space<hbm>>
      %dma_start3A_266 = tpu.memref_slice %arg4[%add3A_264] : memref<320000xi32, #tpu.memory_space<hbm>> -> memref<40xi32, #tpu.memory_space<hbm>>
      tpu.enqueue_dma source(%dma_start3A_266 : memref<40xi32, #tpu.memory_space<hbm>>) target(%arg8 : memref<40xi32, #tpu.memory_space<vmem>>) target_semaphore(%arg21 : memref<!tpu.dma_semaphore, #tpu.memory_space<semaphore_mem>>)
      %add3A_267 = arith.constant 1 : i32
      %add3A_268 = arith.addi %add3A_206, %add3A_267 : i32
      %add3A_269 = arith.constant 1 : i32
      %add3A_270 = arith.addi %add3A_268, %add3A_269 : i32
      %mul3A_271 = arith.constant 40 : i32
      %mul3A_272 = arith.muli %add3A_270, %mul3A_271 : i32
      %add3A_273 = arith.addi %mul3A_6, %mul3A_272 : i32
      %dma_wait3A_274 = tpu.memref_slice %arg4[%add3A_273] : memref<320000xi32, #tpu.memory_space<hbm>> -> memref<40xi32, #tpu.memory_space<hbm>>
      %dma_wait3A_275 = tpu.memref_slice %arg4[%add3A_273] : memref<320000xi32, #tpu.memory_space<hbm>> -> memref<40xi32, #tpu.memory_space<hbm>>
      tpu.wait_dma2 semaphore(%arg21 : memref<!tpu.dma_semaphore, #tpu.memory_space<semaphore_mem>>) src(%dma_wait3A_275 : memref<40xi32, #tpu.memory_space<hbm>>) dst(%arg8 : memref<40xi32, #tpu.memory_space<vmem>>)
      %dma_wait3A_276 = arith.constant 0 : i32
      %dma_wait3A_277 = arith.constant 0 : i32
      %dma_wait3A_278 = tpu.memref_slice %arg16[%dma_wait3A_276, %dma_wait3A_277] : memref<10240x128xf32, #tpu.memory_space<vmem_shared>> -> memref<10240x128xf32, #tpu.memory_space<vmem_shared>>
      tpu.wait_indirect_dma semaphore(%arg25 : memref<!tpu.dma_semaphore, #tpu.memory_space<semaphore_mem>>) src(%arg12 : memref<40x128xf32, #tpu.memory_space<vmem>>) dst(%dma_wait3A_278 : memref<10240x128xf32, #tpu.memory_space<vmem_shared>>)
      %add3A_279 = arith.constant 1 : i32
      %add3A_280 = arith.addi %add3A_268, %add3A_279 : i32
      %mul3A_281 = arith.constant 40 : i32
      %mul3A_282 = arith.muli %add3A_280, %mul3A_281 : i32
      %add3A_283 = arith.addi %mul3A_6, %mul3A_282 : i32
      %dma_start3A_284 = tpu.memref_slice %arg5[%add3A_283] : memref<320000xi32, #tpu.memory_space<hbm>> -> memref<40xi32, #tpu.memory_space<hbm>>
      %dma_start3A_285 = tpu.memref_slice %arg5[%add3A_283] : memref<320000xi32, #tpu.memory_space<hbm>> -> memref<40xi32, #tpu.memory_space<hbm>>
      tpu.enqueue_dma source(%dma_start3A_285 : memref<40xi32, #tpu.memory_space<hbm>>) target(%arg10 : memref<40xi32, #tpu.memory_space<vmem>>) target_semaphore(%arg23 : memref<!tpu.dma_semaphore, #tpu.memory_space<semaphore_mem>>)
      %add3A_286 = arith.constant 1 : i32
      %add3A_287 = arith.addi %add3A_268, %add3A_286 : i32
      %dma_start3A_288 = arith.constant 0 : i32
      %dma_start3A_289 = arith.constant 0 : i32
      %dma_start3A_290 = tpu.memref_slice %arg2[%dma_start3A_288, %dma_start3A_289] : memref<10240x128xf32, #tpu.memory_space<hbm>> -> memref<10240x128xf32, #tpu.memory_space<hbm>>
      tpu.enqueue_indirect_dma source(%dma_start3A_290 : memref<10240x128xf32, #tpu.memory_space<hbm>>) target(%arg12 : memref<40x128xf32, #tpu.memory_space<vmem>>) offsets(%arg8 : memref<40xi32, #tpu.memory_space<vmem>>) semaphore(%arg17 : memref<!tpu.dma_semaphore, #tpu.memory_space<semaphore_mem>>)
      %mul3A_291 = arith.constant 40 : i32
      %mul3A_292 = arith.muli %add3A_287, %mul3A_291 : i32
      %add3A_293 = arith.addi %mul3A_6, %mul3A_292 : i32
      %dma_start3A_294 = arith.constant 0 : i32
      %dma_start3A_295 = tpu.memref_slice %arg3[%add3A_293, %dma_start3A_294] : memref<320000x128xf32, #tpu.memory_space<hbm>> -> memref<40x128xf32, #tpu.memory_space<hbm>>
      %dma_start3A_296 = arith.constant 0 : i32
      %dma_start3A_297 = tpu.memref_slice %arg3[%add3A_293, %dma_start3A_296] : memref<320000x128xf32, #tpu.memory_space<hbm>> -> memref<40x128xf32, #tpu.memory_space<hbm>>
      tpu.enqueue_dma source(%dma_start3A_297 : memref<40x128xf32, #tpu.memory_space<hbm>>) target(%arg14 : memref<40x128xf32, #tpu.memory_space<vmem>>) target_semaphore(%arg19 : memref<!tpu.dma_semaphore, #tpu.memory_space<semaphore_mem>>)
      %dma_wait3A_298 = arith.constant 0 : i32
      %dma_wait3A_299 = arith.constant 0 : i32
      %dma_wait3A_300 = tpu.memref_slice %arg2[%dma_wait3A_298, %dma_wait3A_299] : memref<10240x128xf32, #tpu.memory_space<hbm>> -> memref<10240x128xf32, #tpu.memory_space<hbm>>
      tpu.wait_indirect_dma semaphore(%arg18 : memref<!tpu.dma_semaphore, #tpu.memory_space<semaphore_mem>>) src(%dma_wait3A_300 : memref<10240x128xf32, #tpu.memory_space<hbm>>) dst(%arg13 : memref<40x128xf32, #tpu.memory_space<vmem>>)
      %mul3A_301 = arith.constant 40 : i32
      %mul3A_302 = arith.muli %add3A_268, %mul3A_301 : i32
      %add3A_303 = arith.addi %mul3A_6, %mul3A_302 : i32
      %dma_wait3A_304 = arith.constant 0 : i32
      %dma_wait3A_305 = tpu.memref_slice %arg3[%add3A_303, %dma_wait3A_304] : memref<320000x128xf32, #tpu.memory_space<hbm>> -> memref<40x128xf32, #tpu.memory_space<hbm>>
      %dma_wait3A_306 = arith.constant 0 : i32
      %dma_wait3A_307 = tpu.memref_slice %arg3[%add3A_303, %dma_wait3A_306] : memref<320000x128xf32, #tpu.memory_space<hbm>> -> memref<40x128xf32, #tpu.memory_space<hbm>>
      tpu.wait_dma2 semaphore(%arg20 : memref<!tpu.dma_semaphore, #tpu.memory_space<semaphore_mem>>) src(%dma_wait3A_307 : memref<40x128xf32, #tpu.memory_space<hbm>>) dst(%arg15 : memref<40x128xf32, #tpu.memory_space<vmem>>)
      %mul3A_308 = arith.constant 40 : i32
      %mul3A_309 = arith.muli %add3A_268, %mul3A_308 : i32
      %add3A_310 = arith.addi %mul3A_6, %mul3A_309 : i32
      %dma_wait3A_311 = tpu.memref_slice %arg5[%add3A_310] : memref<320000xi32, #tpu.memory_space<hbm>> -> memref<40xi32, #tpu.memory_space<hbm>>
      %dma_wait3A_312 = tpu.memref_slice %arg5[%add3A_310] : memref<320000xi32, #tpu.memory_space<hbm>> -> memref<40xi32, #tpu.memory_space<hbm>>
      tpu.wait_dma2 semaphore(%arg24 : memref<!tpu.dma_semaphore, #tpu.memory_space<semaphore_mem>>) src(%dma_wait3A_312 : memref<40xi32, #tpu.memory_space<hbm>>) dst(%arg11 : memref<40xi32, #tpu.memory_space<vmem>>)
      %scan3A_313 = arith.constant 0 : i32
      %scan3A_314 = arith.constant 0 : i32
      %scan3A_315 = arith.constant 40 : i32
      %scan3A_316 = arith.addi %scan3A_314, %scan3A_315 : i32
      %scan3A_317 = arith.constant 1 : i32
      scf.for %scan3A_329 = %scan3A_314 to %scan3A_316 step %scan3A_317  : i32 {
        %get3A = arith.index_cast %scan3A_329 : i32 to index
        %get3A_330 = arith.constant 0 : index
        %get3A_331 = tpu.vector_load %arg13[%get3A, %get3A_330] {strides = array<i32>} : memref<40x128xf32, #tpu.memory_space<vmem>>, vector<1x16xf32>,
        %get3A_332 = vector.shape_cast %get3A_331 : vector<1x16xf32> to vector<16xf32>
        %get3A_333 = arith.index_cast %scan3A_329 : i32 to index
        %get3A_334 = arith.constant 0 : index
        %get3A_335 = tpu.vector_load %arg15[%get3A_333, %get3A_334] {strides = array<i32>} : memref<40x128xf32, #tpu.memory_space<vmem>>, vector<1x16xf32>,
        %get3A_336 = vector.shape_cast %get3A_335 : vector<1x16xf32> to vector<16xf32>
        %add3A_337 = arith.addf %get3A_332, %get3A_336 : vector<16xf32>
        %max3A = arith.constant 0.000000e+00 : f32
        %max3A_338 = vector.broadcast %max3A : f32 to vector<16xf32>
        %max3A_339 = arith.maximumf %add3A_337, %max3A_338 : vector<16xf32>
        %swap3A = arith.index_cast %scan3A_329 : i32 to index
        %swap3A_340 = arith.constant 0 : index
        %swap3A_341 = tpu.vector_load %arg13[%swap3A, %swap3A_340] {strides = array<i32>} : memref<40x128xf32, #tpu.memory_space<vmem>>, vector<1x16xf32>,
        %swap3A_342 = vector.shape_cast %swap3A_341 : vector<1x16xf32> to vector<16xf32>
        %swap3A_343 = vector.shape_cast %max3A_339 : vector<16xf32> to vector<1x16xf32>
        tpu.vector_store %arg13[%swap3A, %swap3A_340], %swap3A_343 {strides = array<i32>} : memref<40x128xf32, #tpu.memory_space<vmem>>, vector<1x16xf32>,
        %get3A_344 = arith.index_cast %scan3A_329 : i32 to index
        %get3A_345 = arith.constant 16 : index
        %get3A_346 = tpu.vector_load %arg13[%get3A_344, %get3A_345] {strides = array<i32>} : memref<40x128xf32, #tpu.memory_space<vmem>>, vector<1x16xf32>,
        %get3A_347 = vector.shape_cast %get3A_346 : vector<1x16xf32> to vector<16xf32>
        %get3A_348 = arith.index_cast %scan3A_329 : i32 to index
        %get3A_349 = arith.constant 16 : index
        %get3A_350 = tpu.vector_load %arg15[%get3A_348, %get3A_349] {strides = array<i32>} : memref<40x128xf32, #tpu.memory_space<vmem>>, vector<1x16xf32>,
        %get3A_351 = vector.shape_cast %get3A_350 : vector<1x16xf32> to vector<16xf32>
        %add3A_352 = arith.addf %get3A_347, %get3A_351 : vector<16xf32>
        %max3A_353 = arith.constant 0.000000e+00 : f32
        %max3A_354 = vector.broadcast %max3A_353 : f32 to vector<16xf32>
        %max3A_355 = arith.maximumf %add3A_352, %max3A_354 : vector<16xf32>
        %swap3A_356 = arith.index_cast %scan3A_329 : i32 to index
        %swap3A_357 = arith.constant 16 : index
        %swap3A_358 = tpu.vector_load %arg13[%swap3A_356, %swap3A_357] {strides = array<i32>} : memref<40x128xf32, #tpu.memory_space<vmem>>, vector<1x16xf32>,
        %swap3A_359 = vector.shape_cast %swap3A_358 : vector<1x16xf32> to vector<16xf32>
        %swap3A_360 = vector.shape_cast %max3A_355 : vector<16xf32> to vector<1x16xf32>
        tpu.vector_store %arg13[%swap3A_356, %swap3A_357], %swap3A_360 {strides = array<i32>} : memref<40x128xf32, #tpu.memory_space<vmem>>, vector<1x16xf32>,
        %get3A_361 = arith.index_cast %scan3A_329 : i32 to index
        %get3A_362 = arith.constant 32 : index
        %get3A_363 = tpu.vector_load %arg13[%get3A_361, %get3A_362] {strides = array<i32>} : memref<40x128xf32, #tpu.memory_space<vmem>>, vector<1x16xf32>,
        %get3A_364 = vector.shape_cast %get3A_363 : vector<1x16xf32> to vector<16xf32>
        %get3A_365 = arith.index_cast %scan3A_329 : i32 to index
        %get3A_366 = arith.constant 32 : index
        %get3A_367 = tpu.vector_load %arg15[%get3A_365, %get3A_366] {strides = array<i32>} : memref<40x128xf32, #tpu.memory_space<vmem>>, vector<1x16xf32>,
        %get3A_368 = vector.shape_cast %get3A_367 : vector<1x16xf32> to vector<16xf32>
        %add3A_369 = arith.addf %get3A_364, %get3A_368 : vector<16xf32>
        %max3A_370 = arith.constant 0.000000e+00 : f32
        %max3A_371 = vector.broadcast %max3A_370 : f32 to vector<16xf32>
        %max3A_372 = arith.maximumf %add3A_369, %max3A_371 : vector<16xf32>
        %swap3A_373 = arith.index_cast %scan3A_329 : i32 to index
        %swap3A_374 = arith.constant 32 : index
        %swap3A_375 = tpu.vector_load %arg13[%swap3A_373, %swap3A_374] {strides = array<i32>} : memref<40x128xf32, #tpu.memory_space<vmem>>, vector<1x16xf32>,
        %swap3A_376 = vector.shape_cast %swap3A_375 : vector<1x16xf32> to vector<16xf32>
        %swap3A_377 = vector.shape_cast %max3A_372 : vector<16xf32> to vector<1x16xf32>
        tpu.vector_store %arg13[%swap3A_373, %swap3A_374], %swap3A_377 {strides = array<i32>} : memref<40x128xf32, #tpu.memory_space<vmem>>, vector<1x16xf32>,
        %get3A_378 = arith.index_cast %scan3A_329 : i32 to index
        %get3A_379 = arith.constant 48 : index
        %get3A_380 = tpu.vector_load %arg13[%get3A_378, %get3A_379] {strides = array<i32>} : memref<40x128xf32, #tpu.memory_space<vmem>>, vector<1x16xf32>,
        %get3A_381 = vector.shape_cast %get3A_380 : vector<1x16xf32> to vector<16xf32>
        %get3A_382 = arith.index_cast %scan3A_329 : i32 to index
        %get3A_383 = arith.constant 48 : index
        %get3A_384 = tpu.vector_load %arg15[%get3A_382, %get3A_383] {strides = array<i32>} : memref<40x128xf32, #tpu.memory_space<vmem>>, vector<1x16xf32>,
        %get3A_385 = vector.shape_cast %get3A_384 : vector<1x16xf32> to vector<16xf32>
        %add3A_386 = arith.addf %get3A_381, %get3A_385 : vector<16xf32>
        %max3A_387 = arith.constant 0.000000e+00 : f32
        %max3A_388 = vector.broadcast %max3A_387 : f32 to vector<16xf32>
        %max3A_389 = arith.maximumf %add3A_386, %max3A_388 : vector<16xf32>
        %swap3A_390 = arith.index_cast %scan3A_329 : i32 to index
        %swap3A_391 = arith.constant 48 : index
        %swap3A_392 = tpu.vector_load %arg13[%swap3A_390, %swap3A_391] {strides = array<i32>} : memref<40x128xf32, #tpu.memory_space<vmem>>, vector<1x16xf32>,
        %swap3A_393 = vector.shape_cast %swap3A_392 : vector<1x16xf32> to vector<16xf32>
        %swap3A_394 = vector.shape_cast %max3A_389 : vector<16xf32> to vector<1x16xf32>
        tpu.vector_store %arg13[%swap3A_390, %swap3A_391], %swap3A_394 {strides = array<i32>} : memref<40x128xf32, #tpu.memory_space<vmem>>, vector<1x16xf32>,
        %get3A_395 = arith.index_cast %scan3A_329 : i32 to index
        %get3A_396 = arith.constant 64 : index
        %get3A_397 = tpu.vector_load %arg13[%get3A_395, %get3A_396] {strides = array<i32>} : memref<40x128xf32, #tpu.memory_space<vmem>>, vector<1x16xf32>,
        %get3A_398 = vector.shape_cast %get3A_397 : vector<1x16xf32> to vector<16xf32>
        %get3A_399 = arith.index_cast %scan3A_329 : i32 to index
        %get3A_400 = arith.constant 64 : index
        %get3A_401 = tpu.vector_load %arg15[%get3A_399, %get3A_400] {strides = array<i32>} : memref<40x128xf32, #tpu.memory_space<vmem>>, vector<1x16xf32>,
        %get3A_402 = vector.shape_cast %get3A_401 : vector<1x16xf32> to vector<16xf32>
        %add3A_403 = arith.addf %get3A_398, %get3A_402 : vector<16xf32>
        %max3A_404 = arith.constant 0.000000e+00 : f32
        %max3A_405 = vector.broadcast %max3A_404 : f32 to vector<16xf32>
        %max3A_406 = arith.maximumf %add3A_403, %max3A_405 : vector<16xf32>
        %swap3A_407 = arith.index_cast %scan3A_329 : i32 to index
        %swap3A_408 = arith.constant 64 : index
        %swap3A_409 = tpu.vector_load %arg13[%swap3A_407, %swap3A_408] {strides = array<i32>} : memref<40x128xf32, #tpu.memory_space<vmem>>, vector<1x16xf32>,
        %swap3A_410 = vector.shape_cast %swap3A_409 : vector<1x16xf32> to vector<16xf32>
        %swap3A_411 = vector.shape_cast %max3A_406 : vector<16xf32> to vector<1x16xf32>
        tpu.vector_store %arg13[%swap3A_407, %swap3A_408], %swap3A_411 {strides = array<i32>} : memref<40x128xf32, #tpu.memory_space<vmem>>, vector<1x16xf32>,
        %get3A_412 = arith.index_cast %scan3A_329 : i32 to index
        %get3A_413 = arith.constant 80 : index
        %get3A_414 = tpu.vector_load %arg13[%get3A_412, %get3A_413] {strides = array<i32>} : memref<40x128xf32, #tpu.memory_space<vmem>>, vector<1x16xf32>,
        %get3A_415 = vector.shape_cast %get3A_414 : vector<1x16xf32> to vector<16xf32>
        %get3A_416 = arith.index_cast %scan3A_329 : i32 to index
        %get3A_417 = arith.constant 80 : index
        %get3A_418 = tpu.vector_load %arg15[%get3A_416, %get3A_417] {strides = array<i32>} : memref<40x128xf32, #tpu.memory_space<vmem>>, vector<1x16xf32>,
        %get3A_419 = vector.shape_cast %get3A_418 : vector<1x16xf32> to vector<16xf32>
        %add3A_420 = arith.addf %get3A_415, %get3A_419 : vector<16xf32>
        %max3A_421 = arith.constant 0.000000e+00 : f32
        %max3A_422 = vector.broadcast %max3A_421 : f32 to vector<16xf32>
        %max3A_423 = arith.maximumf %add3A_420, %max3A_422 : vector<16xf32>
        %swap3A_424 = arith.index_cast %scan3A_329 : i32 to index
        %swap3A_425 = arith.constant 80 : index
        %swap3A_426 = tpu.vector_load %arg13[%swap3A_424, %swap3A_425] {strides = array<i32>} : memref<40x128xf32, #tpu.memory_space<vmem>>, vector<1x16xf32>,
        %swap3A_427 = vector.shape_cast %swap3A_426 : vector<1x16xf32> to vector<16xf32>
        %swap3A_428 = vector.shape_cast %max3A_423 : vector<16xf32> to vector<1x16xf32>
        tpu.vector_store %arg13[%swap3A_424, %swap3A_425], %swap3A_428 {strides = array<i32>} : memref<40x128xf32, #tpu.memory_space<vmem>>, vector<1x16xf32>,
        %get3A_429 = arith.index_cast %scan3A_329 : i32 to index
        %get3A_430 = arith.constant 96 : index
        %get3A_431 = tpu.vector_load %arg13[%get3A_429, %get3A_430] {strides = array<i32>} : memref<40x128xf32, #tpu.memory_space<vmem>>, vector<1x16xf32>,
        %get3A_432 = vector.shape_cast %get3A_431 : vector<1x16xf32> to vector<16xf32>
        %get3A_433 = arith.index_cast %scan3A_329 : i32 to index
        %get3A_434 = arith.constant 96 : index
        %get3A_435 = tpu.vector_load %arg15[%get3A_433, %get3A_434] {strides = array<i32>} : memref<40x128xf32, #tpu.memory_space<vmem>>, vector<1x16xf32>,
        %get3A_436 = vector.shape_cast %get3A_435 : vector<1x16xf32> to vector<16xf32>
        %add3A_437 = arith.addf %get3A_432, %get3A_436 : vector<16xf32>
        %max3A_438 = arith.constant 0.000000e+00 : f32
        %max3A_439 = vector.broadcast %max3A_438 : f32 to vector<16xf32>
        %max3A_440 = arith.maximumf %add3A_437, %max3A_439 : vector<16xf32>
        %swap3A_441 = arith.index_cast %scan3A_329 : i32 to index
        %swap3A_442 = arith.constant 96 : index
        %swap3A_443 = tpu.vector_load %arg13[%swap3A_441, %swap3A_442] {strides = array<i32>} : memref<40x128xf32, #tpu.memory_space<vmem>>, vector<1x16xf32>,
        %swap3A_444 = vector.shape_cast %swap3A_443 : vector<1x16xf32> to vector<16xf32>
        %swap3A_445 = vector.shape_cast %max3A_440 : vector<16xf32> to vector<1x16xf32>
        tpu.vector_store %arg13[%swap3A_441, %swap3A_442], %swap3A_445 {strides = array<i32>} : memref<40x128xf32, #tpu.memory_space<vmem>>, vector<1x16xf32>,
        %get3A_446 = arith.index_cast %scan3A_329 : i32 to index
        %get3A_447 = arith.constant 112 : index
        %get3A_448 = tpu.vector_load %arg13[%get3A_446, %get3A_447] {strides = array<i32>} : memref<40x128xf32, #tpu.memory_space<vmem>>, vector<1x16xf32>,
        %get3A_449 = vector.shape_cast %get3A_448 : vector<1x16xf32> to vector<16xf32>
        %get3A_450 = arith.index_cast %scan3A_329 : i32 to index
        %get3A_451 = arith.constant 112 : index
        %get3A_452 = tpu.vector_load %arg15[%get3A_450, %get3A_451] {strides = array<i32>} : memref<40x128xf32, #tpu.memory_space<vmem>>, vector<1x16xf32>,
        %get3A_453 = vector.shape_cast %get3A_452 : vector<1x16xf32> to vector<16xf32>
        %add3A_454 = arith.addf %get3A_449, %get3A_453 : vector<16xf32>
        %max3A_455 = arith.constant 0.000000e+00 : f32
        %max3A_456 = vector.broadcast %max3A_455 : f32 to vector<16xf32>
        %max3A_457 = arith.maximumf %add3A_454, %max3A_456 : vector<16xf32>
        %swap3A_458 = arith.index_cast %scan3A_329 : i32 to index
        %swap3A_459 = arith.constant 112 : index
        %swap3A_460 = tpu.vector_load %arg13[%swap3A_458, %swap3A_459] {strides = array<i32>} : memref<40x128xf32, #tpu.memory_space<vmem>>, vector<1x16xf32>,
        %swap3A_461 = vector.shape_cast %swap3A_460 : vector<1x16xf32> to vector<16xf32>
        %swap3A_462 = vector.shape_cast %max3A_457 : vector<16xf32> to vector<1x16xf32>
        tpu.vector_store %arg13[%swap3A_458, %swap3A_459], %swap3A_462 {strides = array<i32>} : memref<40x128xf32, #tpu.memory_space<vmem>>, vector<1x16xf32>,
      }
      %scan3A_318 = arith.constant 40 : i32
      %dma_start3A_319 = arith.constant 0 : i32
      %dma_start3A_320 = arith.constant 0 : i32
      %dma_start3A_321 = tpu.memref_slice %arg16[%dma_start3A_319, %dma_start3A_320] : memref<10240x128xf32, #tpu.memory_space<vmem_shared>> -> memref<10240x128xf32, #tpu.memory_space<vmem_shared>>
      tpu.enqueue_indirect_dma source(%arg13 : memref<40x128xf32, #tpu.memory_space<vmem>>) target(%dma_start3A_321 : memref<10240x128xf32, #tpu.memory_space<vmem_shared>>) offsets(%arg11 : memref<40xi32, #tpu.memory_space<vmem>>) semaphore(%arg26 : memref<!tpu.dma_semaphore, #tpu.memory_space<semaphore_mem>>) {add = true}
      %add3A_322 = arith.constant 2 : i32
      %add3A_323 = arith.addi %add3A_268, %add3A_322 : i32
      %mul3A_324 = arith.constant 40 : i32
      %mul3A_325 = arith.muli %add3A_323, %mul3A_324 : i32
      %add3A_326 = arith.addi %mul3A_6, %mul3A_325 : i32
      %dma_start3A_327 = tpu.memref_slice %arg4[%add3A_326] : memref<320000xi32, #tpu.memory_space<hbm>> -> memref<40xi32, #tpu.memory_space<hbm>>
      %dma_start3A_328 = tpu.memref_slice %arg4[%add3A_326] : memref<320000xi32, #tpu.memory_space<hbm>> -> memref<40xi32, #tpu.memory_space<hbm>>
      tpu.enqueue_dma source(%dma_start3A_328 : memref<40xi32, #tpu.memory_space<hbm>>) target(%arg9 : memref<40xi32, #tpu.memory_space<vmem>>) target_semaphore(%arg22 : memref<!tpu.dma_semaphore, #tpu.memory_space<semaphore_mem>>)
    }
    %scan3A_123 = arith.constant 123 : i32
    %add3A_124 = arith.constant 9960 : i32
    %add3A_125 = arith.addi %mul3A_6, %add3A_124 : i32
    %dma_wait3A_126 = tpu.memref_slice %arg4[%add3A_125] : memref<320000xi32, #tpu.memory_space<hbm>> -> memref<40xi32, #tpu.memory_space<hbm>>
    %dma_wait3A_127 = tpu.memref_slice %arg4[%add3A_125] : memref<320000xi32, #tpu.memory_space<hbm>> -> memref<40xi32, #tpu.memory_space<hbm>>
    tpu.wait_dma2 semaphore(%arg22 : memref<!tpu.dma_semaphore, #tpu.memory_space<semaphore_mem>>) src(%dma_wait3A_127 : memref<40xi32, #tpu.memory_space<hbm>>) dst(%arg9 : memref<40xi32, #tpu.memory_space<vmem>>)
    %dma_wait3A_128 = arith.constant 0 : i32
    %dma_wait3A_129 = arith.constant 0 : i32
    %dma_wait3A_130 = tpu.memref_slice %arg16[%dma_wait3A_128, %dma_wait3A_129] : memref<10240x128xf32, #tpu.memory_space<vmem_shared>> -> memref<10240x128xf32, #tpu.memory_space<vmem_shared>>
    tpu.wait_indirect_dma semaphore(%arg26 : memref<!tpu.dma_semaphore, #tpu.memory_space<semaphore_mem>>) src(%arg13 : memref<40x128xf32, #tpu.memory_space<vmem>>) dst(%dma_wait3A_130 : memref<10240x128xf32, #tpu.memory_space<vmem_shared>>)
    %add3A_131 = arith.constant 9960 : i32
    %add3A_132 = arith.addi %mul3A_6, %add3A_131 : i32
    %dma_start3A_133 = tpu.memref_slice %arg5[%add3A_132] : memref<320000xi32, #tpu.memory_space<hbm>> -> memref<40xi32, #tpu.memory_space<hbm>>
    %dma_start3A_134 = tpu.memref_slice %arg5[%add3A_132] : memref<320000xi32, #tpu.memory_space<hbm>> -> memref<40xi32, #tpu.memory_space<hbm>>
    tpu.enqueue_dma source(%dma_start3A_134 : memref<40xi32, #tpu.memory_space<hbm>>) target(%arg11 : memref<40xi32, #tpu.memory_space<vmem>>) target_semaphore(%arg24 : memref<!tpu.dma_semaphore, #tpu.memory_space<semaphore_mem>>)
    %dma_start3A_135 = arith.constant 0 : i32
    %dma_start3A_136 = arith.constant 0 : i32
    %dma_start3A_137 = tpu.memref_slice %arg2[%dma_start3A_135, %dma_start3A_136] : memref<10240x128xf32, #tpu.memory_space<hbm>> -> memref<10240x128xf32, #tpu.memory_space<hbm>>
    tpu.enqueue_indirect_dma source(%dma_start3A_137 : memref<10240x128xf32, #tpu.memory_space<hbm>>) target(%arg13 : memref<40x128xf32, #tpu.memory_space<vmem>>) offsets(%arg9 : memref<40xi32, #tpu.memory_space<vmem>>) semaphore(%arg18 : memref<!tpu.dma_semaphore, #tpu.memory_space<semaphore_mem>>)
    %add3A_138 = arith.constant 9960 : i32
    %add3A_139 = arith.addi %mul3A_6, %add3A_138 : i32
    %dma_start3A_140 = arith.constant 0 : i32
    %dma_start3A_141 = tpu.memref_slice %arg3[%add3A_139, %dma_start3A_140] : memref<320000x128xf32, #tpu.memory_space<hbm>> -> memref<40x128xf32, #tpu.memory_space<hbm>>
    %dma_start3A_142 = arith.constant 0 : i32
    %dma_start3A_143 = tpu.memref_slice %arg3[%add3A_139, %dma_start3A_142] : memref<320000x128xf32, #tpu.memory_space<hbm>> -> memref<40x128xf32, #tpu.memory_space<hbm>>
    tpu.enqueue_dma source(%dma_start3A_143 : memref<40x128xf32, #tpu.memory_space<hbm>>) target(%arg15 : memref<40x128xf32, #tpu.memory_space<vmem>>) target_semaphore(%arg20 : memref<!tpu.dma_semaphore, #tpu.memory_space<semaphore_mem>>)
    %dma_wait3A_144 = arith.constant 0 : i32
    %dma_wait3A_145 = arith.constant 0 : i32
    %dma_wait3A_146 = tpu.memref_slice %arg2[%dma_wait3A_144, %dma_wait3A_145] : memref<10240x128xf32, #tpu.memory_space<hbm>> -> memref<10240x128xf32, #tpu.memory_space<hbm>>
    tpu.wait_indirect_dma semaphore(%arg17 : memref<!tpu.dma_semaphore, #tpu.memory_space<semaphore_mem>>) src(%dma_wait3A_146 : memref<10240x128xf32, #tpu.memory_space<hbm>>) dst(%arg12 : memref<40x128xf32, #tpu.memory_space<vmem>>)
    %add3A_147 = arith.constant 9920 : i32
    %add3A_148 = arith.addi %mul3A_6, %add3A_147 : i32
    %dma_wait3A_149 = arith.constant 0 : i32
    %dma_wait3A_150 = tpu.memref_slice %arg3[%add3A_148, %dma_wait3A_149] : memref<320000x128xf32, #tpu.memory_space<hbm>> -> memref<40x128xf32, #tpu.memory_space<hbm>>
    %dma_wait3A_151 = arith.constant 0 : i32
    %dma_wait3A_152 = tpu.memref_slice %arg3[%add3A_148, %dma_wait3A_151] : memref<320000x128xf32, #tpu.memory_space<hbm>> -> memref<40x128xf32, #tpu.memory_space<hbm>>
    tpu.wait_dma2 semaphore(%arg19 : memref<!tpu.dma_semaphore, #tpu.memory_space<semaphore_mem>>) src(%dma_wait3A_152 : memref<40x128xf32, #tpu.memory_space<hbm>>) dst(%arg14 : memref<40x128xf32, #tpu.memory_space<vmem>>)
    %add3A_153 = arith.constant 9920 : i32
    %add3A_154 = arith.addi %mul3A_6, %add3A_153 : i32
    %dma_wait3A_155 = tpu.memref_slice %arg5[%add3A_154] : memref<320000xi32, #tpu.memory_space<hbm>> -> memref<40xi32, #tpu.memory_space<hbm>>
    %dma_wait3A_156 = tpu.memref_slice %arg5[%add3A_154] : memref<320000xi32, #tpu.memory_space<hbm>> -> memref<40xi32, #tpu.memory_space<hbm>>
    tpu.wait_dma2 semaphore(%arg23 : memref<!tpu.dma_semaphore, #tpu.memory_space<semaphore_mem>>) src(%dma_wait3A_156 : memref<40xi32, #tpu.memory_space<hbm>>) dst(%arg10 : memref<40xi32, #tpu.memory_space<vmem>>)
    %scan3A_157 = arith.constant 0 : i32
    %scan3A_158 = arith.constant 0 : i32
    %scan3A_159 = arith.constant 40 : i32
    %scan3A_160 = arith.addi %scan3A_158, %scan3A_159 : i32
    %scan3A_161 = arith.constant 1 : i32
    scf.for %scan3A_202 = %scan3A_158 to %scan3A_160 step %scan3A_161  : i32 {
      %get3A = arith.index_cast %scan3A_202 : i32 to index
      %get3A_203 = arith.constant 0 : index
      %get3A_204 = tpu.vector_load %arg12[%get3A, %get3A_203] {strides = array<i32>} : memref<40x128xf32, #tpu.memory_space<vmem>>, vector<1x16xf32>,
      %get3A_205 = vector.shape_cast %get3A_204 : vector<1x16xf32> to vector<16xf32>
      %get3A_206 = arith.index_cast %scan3A_202 : i32 to index
      %get3A_207 = arith.constant 0 : index
      %get3A_208 = tpu.vector_load %arg14[%get3A_206, %get3A_207] {strides = array<i32>} : memref<40x128xf32, #tpu.memory_space<vmem>>, vector<1x16xf32>,
      %get3A_209 = vector.shape_cast %get3A_208 : vector<1x16xf32> to vector<16xf32>
      %add3A_210 = arith.addf %get3A_205, %get3A_209 : vector<16xf32>
      %max3A = arith.constant 0.000000e+00 : f32
      %max3A_211 = vector.broadcast %max3A : f32 to vector<16xf32>
      %max3A_212 = arith.maximumf %add3A_210, %max3A_211 : vector<16xf32>
      %swap3A = arith.index_cast %scan3A_202 : i32 to index
      %swap3A_213 = arith.constant 0 : index
      %swap3A_214 = tpu.vector_load %arg12[%swap3A, %swap3A_213] {strides = array<i32>} : memref<40x128xf32, #tpu.memory_space<vmem>>, vector<1x16xf32>,
      %swap3A_215 = vector.shape_cast %swap3A_214 : vector<1x16xf32> to vector<16xf32>
      %swap3A_216 = vector.shape_cast %max3A_212 : vector<16xf32> to vector<1x16xf32>
      tpu.vector_store %arg12[%swap3A, %swap3A_213], %swap3A_216 {strides = array<i32>} : memref<40x128xf32, #tpu.memory_space<vmem>>, vector<1x16xf32>,
      %get3A_217 = arith.index_cast %scan3A_202 : i32 to index
      %get3A_218 = arith.constant 16 : index
      %get3A_219 = tpu.vector_load %arg12[%get3A_217, %get3A_218] {strides = array<i32>} : memref<40x128xf32, #tpu.memory_space<vmem>>, vector<1x16xf32>,
      %get3A_220 = vector.shape_cast %get3A_219 : vector<1x16xf32> to vector<16xf32>
      %get3A_221 = arith.index_cast %scan3A_202 : i32 to index
      %get3A_222 = arith.constant 16 : index
      %get3A_223 = tpu.vector_load %arg14[%get3A_221, %get3A_222] {strides = array<i32>} : memref<40x128xf32, #tpu.memory_space<vmem>>, vector<1x16xf32>,
      %get3A_224 = vector.shape_cast %get3A_223 : vector<1x16xf32> to vector<16xf32>
      %add3A_225 = arith.addf %get3A_220, %get3A_224 : vector<16xf32>
      %max3A_226 = arith.constant 0.000000e+00 : f32
      %max3A_227 = vector.broadcast %max3A_226 : f32 to vector<16xf32>
      %max3A_228 = arith.maximumf %add3A_225, %max3A_227 : vector<16xf32>
      %swap3A_229 = arith.index_cast %scan3A_202 : i32 to index
      %swap3A_230 = arith.constant 16 : index
      %swap3A_231 = tpu.vector_load %arg12[%swap3A_229, %swap3A_230] {strides = array<i32>} : memref<40x128xf32, #tpu.memory_space<vmem>>, vector<1x16xf32>,
      %swap3A_232 = vector.shape_cast %swap3A_231 : vector<1x16xf32> to vector<16xf32>
      %swap3A_233 = vector.shape_cast %max3A_228 : vector<16xf32> to vector<1x16xf32>
      tpu.vector_store %arg12[%swap3A_229, %swap3A_230], %swap3A_233 {strides = array<i32>} : memref<40x128xf32, #tpu.memory_space<vmem>>, vector<1x16xf32>,
      %get3A_234 = arith.index_cast %scan3A_202 : i32 to index
      %get3A_235 = arith.constant 32 : index
      %get3A_236 = tpu.vector_load %arg12[%get3A_234, %get3A_235] {strides = array<i32>} : memref<40x128xf32, #tpu.memory_space<vmem>>, vector<1x16xf32>,
      %get3A_237 = vector.shape_cast %get3A_236 : vector<1x16xf32> to vector<16xf32>
      %get3A_238 = arith.index_cast %scan3A_202 : i32 to index
      %get3A_239 = arith.constant 32 : index
      %get3A_240 = tpu.vector_load %arg14[%get3A_238, %get3A_239] {strides = array<i32>} : memref<40x128xf32, #tpu.memory_space<vmem>>, vector<1x16xf32>,
      %get3A_241 = vector.shape_cast %get3A_240 : vector<1x16xf32> to vector<16xf32>
      %add3A_242 = arith.addf %get3A_237, %get3A_241 : vector<16xf32>
      %max3A_243 = arith.constant 0.000000e+00 : f32
      %max3A_244 = vector.broadcast %max3A_243 : f32 to vector<16xf32>
      %max3A_245 = arith.maximumf %add3A_242, %max3A_244 : vector<16xf32>
      %swap3A_246 = arith.index_cast %scan3A_202 : i32 to index
      %swap3A_247 = arith.constant 32 : index
      %swap3A_248 = tpu.vector_load %arg12[%swap3A_246, %swap3A_247] {strides = array<i32>} : memref<40x128xf32, #tpu.memory_space<vmem>>, vector<1x16xf32>,
      %swap3A_249 = vector.shape_cast %swap3A_248 : vector<1x16xf32> to vector<16xf32>
      %swap3A_250 = vector.shape_cast %max3A_245 : vector<16xf32> to vector<1x16xf32>
      tpu.vector_store %arg12[%swap3A_246, %swap3A_247], %swap3A_250 {strides = array<i32>} : memref<40x128xf32, #tpu.memory_space<vmem>>, vector<1x16xf32>,
      %get3A_251 = arith.index_cast %scan3A_202 : i32 to index
      %get3A_252 = arith.constant 48 : index
      %get3A_253 = tpu.vector_load %arg12[%get3A_251, %get3A_252] {strides = array<i32>} : memref<40x128xf32, #tpu.memory_space<vmem>>, vector<1x16xf32>,
      %get3A_254 = vector.shape_cast %get3A_253 : vector<1x16xf32> to vector<16xf32>
      %get3A_255 = arith.index_cast %scan3A_202 : i32 to index
      %get3A_256 = arith.constant 48 : index
      %get3A_257 = tpu.vector_load %arg14[%get3A_255, %get3A_256] {strides = array<i32>} : memref<40x128xf32, #tpu.memory_space<vmem>>, vector<1x16xf32>,
      %get3A_258 = vector.shape_cast %get3A_257 : vector<1x16xf32> to vector<16xf32>
      %add3A_259 = arith.addf %get3A_254, %get3A_258 : vector<16xf32>
      %max3A_260 = arith.constant 0.000000e+00 : f32
      %max3A_261 = vector.broadcast %max3A_260 : f32 to vector<16xf32>
      %max3A_262 = arith.maximumf %add3A_259, %max3A_261 : vector<16xf32>
      %swap3A_263 = arith.index_cast %scan3A_202 : i32 to index
      %swap3A_264 = arith.constant 48 : index
      %swap3A_265 = tpu.vector_load %arg12[%swap3A_263, %swap3A_264] {strides = array<i32>} : memref<40x128xf32, #tpu.memory_space<vmem>>, vector<1x16xf32>,
      %swap3A_266 = vector.shape_cast %swap3A_265 : vector<1x16xf32> to vector<16xf32>
      %swap3A_267 = vector.shape_cast %max3A_262 : vector<16xf32> to vector<1x16xf32>
      tpu.vector_store %arg12[%swap3A_263, %swap3A_264], %swap3A_267 {strides = array<i32>} : memref<40x128xf32, #tpu.memory_space<vmem>>, vector<1x16xf32>,
      %get3A_268 = arith.index_cast %scan3A_202 : i32 to index
      %get3A_269 = arith.constant 64 : index
      %get3A_270 = tpu.vector_load %arg12[%get3A_268, %get3A_269] {strides = array<i32>} : memref<40x128xf32, #tpu.memory_space<vmem>>, vector<1x16xf32>,
      %get3A_271 = vector.shape_cast %get3A_270 : vector<1x16xf32> to vector<16xf32>
      %get3A_272 = arith.index_cast %scan3A_202 : i32 to index
      %get3A_273 = arith.constant 64 : index
      %get3A_274 = tpu.vector_load %arg14[%get3A_272, %get3A_273] {strides = array<i32>} : memref<40x128xf32, #tpu.memory_space<vmem>>, vector<1x16xf32>,
      %get3A_275 = vector.shape_cast %get3A_274 : vector<1x16xf32> to vector<16xf32>
      %add3A_276 = arith.addf %get3A_271, %get3A_275 : vector<16xf32>
      %max3A_277 = arith.constant 0.000000e+00 : f32
      %max3A_278 = vector.broadcast %max3A_277 : f32 to vector<16xf32>
      %max3A_279 = arith.maximumf %add3A_276, %max3A_278 : vector<16xf32>
      %swap3A_280 = arith.index_cast %scan3A_202 : i32 to index
      %swap3A_281 = arith.constant 64 : index
      %swap3A_282 = tpu.vector_load %arg12[%swap3A_280, %swap3A_281] {strides = array<i32>} : memref<40x128xf32, #tpu.memory_space<vmem>>, vector<1x16xf32>,
      %swap3A_283 = vector.shape_cast %swap3A_282 : vector<1x16xf32> to vector<16xf32>
      %swap3A_284 = vector.shape_cast %max3A_279 : vector<16xf32> to vector<1x16xf32>
      tpu.vector_store %arg12[%swap3A_280, %swap3A_281], %swap3A_284 {strides = array<i32>} : memref<40x128xf32, #tpu.memory_space<vmem>>, vector<1x16xf32>,
      %get3A_285 = arith.index_cast %scan3A_202 : i32 to index
      %get3A_286 = arith.constant 80 : index
      %get3A_287 = tpu.vector_load %arg12[%get3A_285, %get3A_286] {strides = array<i32>} : memref<40x128xf32, #tpu.memory_space<vmem>>, vector<1x16xf32>,
      %get3A_288 = vector.shape_cast %get3A_287 : vector<1x16xf32> to vector<16xf32>
      %get3A_289 = arith.index_cast %scan3A_202 : i32 to index
      %get3A_290 = arith.constant 80 : index
      %get3A_291 = tpu.vector_load %arg14[%get3A_289, %get3A_290] {strides = array<i32>} : memref<40x128xf32, #tpu.memory_space<vmem>>, vector<1x16xf32>,
      %get3A_292 = vector.shape_cast %get3A_291 : vector<1x16xf32> to vector<16xf32>
      %add3A_293 = arith.addf %get3A_288, %get3A_292 : vector<16xf32>
      %max3A_294 = arith.constant 0.000000e+00 : f32
      %max3A_295 = vector.broadcast %max3A_294 : f32 to vector<16xf32>
      %max3A_296 = arith.maximumf %add3A_293, %max3A_295 : vector<16xf32>
      %swap3A_297 = arith.index_cast %scan3A_202 : i32 to index
      %swap3A_298 = arith.constant 80 : index
      %swap3A_299 = tpu.vector_load %arg12[%swap3A_297, %swap3A_298] {strides = array<i32>} : memref<40x128xf32, #tpu.memory_space<vmem>>, vector<1x16xf32>,
      %swap3A_300 = vector.shape_cast %swap3A_299 : vector<1x16xf32> to vector<16xf32>
      %swap3A_301 = vector.shape_cast %max3A_296 : vector<16xf32> to vector<1x16xf32>
      tpu.vector_store %arg12[%swap3A_297, %swap3A_298], %swap3A_301 {strides = array<i32>} : memref<40x128xf32, #tpu.memory_space<vmem>>, vector<1x16xf32>,
      %get3A_302 = arith.index_cast %scan3A_202 : i32 to index
      %get3A_303 = arith.constant 96 : index
      %get3A_304 = tpu.vector_load %arg12[%get3A_302, %get3A_303] {strides = array<i32>} : memref<40x128xf32, #tpu.memory_space<vmem>>, vector<1x16xf32>,
      %get3A_305 = vector.shape_cast %get3A_304 : vector<1x16xf32> to vector<16xf32>
      %get3A_306 = arith.index_cast %scan3A_202 : i32 to index
      %get3A_307 = arith.constant 96 : index
      %get3A_308 = tpu.vector_load %arg14[%get3A_306, %get3A_307] {strides = array<i32>} : memref<40x128xf32, #tpu.memory_space<vmem>>, vector<1x16xf32>,
      %get3A_309 = vector.shape_cast %get3A_308 : vector<1x16xf32> to vector<16xf32>
      %add3A_310 = arith.addf %get3A_305, %get3A_309 : vector<16xf32>
      %max3A_311 = arith.constant 0.000000e+00 : f32
      %max3A_312 = vector.broadcast %max3A_311 : f32 to vector<16xf32>
      %max3A_313 = arith.maximumf %add3A_310, %max3A_312 : vector<16xf32>
      %swap3A_314 = arith.index_cast %scan3A_202 : i32 to index
      %swap3A_315 = arith.constant 96 : index
      %swap3A_316 = tpu.vector_load %arg12[%swap3A_314, %swap3A_315] {strides = array<i32>} : memref<40x128xf32, #tpu.memory_space<vmem>>, vector<1x16xf32>,
      %swap3A_317 = vector.shape_cast %swap3A_316 : vector<1x16xf32> to vector<16xf32>
      %swap3A_318 = vector.shape_cast %max3A_313 : vector<16xf32> to vector<1x16xf32>
      tpu.vector_store %arg12[%swap3A_314, %swap3A_315], %swap3A_318 {strides = array<i32>} : memref<40x128xf32, #tpu.memory_space<vmem>>, vector<1x16xf32>,
      %get3A_319 = arith.index_cast %scan3A_202 : i32 to index
      %get3A_320 = arith.constant 112 : index
      %get3A_321 = tpu.vector_load %arg12[%get3A_319, %get3A_320] {strides = array<i32>} : memref<40x128xf32, #tpu.memory_space<vmem>>, vector<1x16xf32>,
      %get3A_322 = vector.shape_cast %get3A_321 : vector<1x16xf32> to vector<16xf32>
      %get3A_323 = arith.index_cast %scan3A_202 : i32 to index
      %get3A_324 = arith.constant 112 : index
      %get3A_325 = tpu.vector_load %arg14[%get3A_323, %get3A_324] {strides = array<i32>} : memref<40x128xf32, #tpu.memory_space<vmem>>, vector<1x16xf32>,
      %get3A_326 = vector.shape_cast %get3A_325 : vector<1x16xf32> to vector<16xf32>
      %add3A_327 = arith.addf %get3A_322, %get3A_326 : vector<16xf32>
      %max3A_328 = arith.constant 0.000000e+00 : f32
      %max3A_329 = vector.broadcast %max3A_328 : f32 to vector<16xf32>
      %max3A_330 = arith.maximumf %add3A_327, %max3A_329 : vector<16xf32>
      %swap3A_331 = arith.index_cast %scan3A_202 : i32 to index
      %swap3A_332 = arith.constant 112 : index
      %swap3A_333 = tpu.vector_load %arg12[%swap3A_331, %swap3A_332] {strides = array<i32>} : memref<40x128xf32, #tpu.memory_space<vmem>>, vector<1x16xf32>,
      %swap3A_334 = vector.shape_cast %swap3A_333 : vector<1x16xf32> to vector<16xf32>
      %swap3A_335 = vector.shape_cast %max3A_330 : vector<16xf32> to vector<1x16xf32>
      tpu.vector_store %arg12[%swap3A_331, %swap3A_332], %swap3A_335 {strides = array<i32>} : memref<40x128xf32, #tpu.memory_space<vmem>>, vector<1x16xf32>,
    }
    %scan3A_162 = arith.constant 40 : i32
    %dma_start3A_163 = arith.constant 0 : i32
    %dma_start3A_164 = arith.constant 0 : i32
    %dma_start3A_165 = tpu.memref_slice %arg16[%dma_start3A_163, %dma_start3A_164] : memref<10240x128xf32, #tpu.memory_space<vmem_shared>> -> memref<10240x128xf32, #tpu.memory_space<vmem_shared>>
    tpu.enqueue_indirect_dma source(%arg12 : memref<40x128xf32, #tpu.memory_space<vmem>>) target(%dma_start3A_165 : memref<10240x128xf32, #tpu.memory_space<vmem_shared>>) offsets(%arg10 : memref<40xi32, #tpu.memory_space<vmem>>) semaphore(%arg25 : memref<!tpu.dma_semaphore, #tpu.memory_space<semaphore_mem>>) {add = true}
    %dma_wait3A_166 = arith.constant 0 : i32
    %dma_wait3A_167 = arith.constant 0 : i32
    %dma_wait3A_168 = tpu.memref_slice %arg16[%dma_wait3A_166, %dma_wait3A_167] : memref<10240x128xf32, #tpu.memory_space<vmem_shared>> -> memref<10240x128xf32, #tpu.memory_space<vmem_shared>>
    tpu.wait_indirect_dma semaphore(%arg25 : memref<!tpu.dma_semaphore, #tpu.memory_space<semaphore_mem>>) src(%arg12 : memref<40x128xf32, #tpu.memory_space<vmem>>) dst(%dma_wait3A_168 : memref<10240x128xf32, #tpu.memory_space<vmem_shared>>)
    %dma_wait3A_169 = arith.constant 0 : i32
    %dma_wait3A_170 = arith.constant 0 : i32
    %dma_wait3A_171 = tpu.memref_slice %arg2[%dma_wait3A_169, %dma_wait3A_170] : memref<10240x128xf32, #tpu.memory_space<hbm>> -> memref<10240x128xf32, #tpu.memory_space<hbm>>
    tpu.wait_indirect_dma semaphore(%arg18 : memref<!tpu.dma_semaphore, #tpu.memory_space<semaphore_mem>>) src(%dma_wait3A_171 : memref<10240x128xf32, #tpu.memory_space<hbm>>) dst(%arg13 : memref<40x128xf32, #tpu.memory_space<vmem>>)
    %add3A_172 = arith.constant 9960 : i32
    %add3A_173 = arith.addi %mul3A_6, %add3A_172 : i32
    %dma_wait3A_174 = arith.constant 0 : i32
    %dma_wait3A_175 = tpu.memref_slice %arg3[%add3A_173, %dma_wait3A_174] : memref<320000x128xf32, #tpu.memory_space<hbm>> -> memref<40x128xf32, #tpu.memory_space<hbm>>
    %dma_wait3A_176 = arith.constant 0 : i32
    %dma_wait3A_177 = tpu.memref_slice %arg3[%add3A_173, %dma_wait3A_176] : memref<320000x128xf32, #tpu.memory_space<hbm>> -> memref<40x128xf32, #tpu.memory_space<hbm>>
    tpu.wait_dma2 semaphore(%arg20 : memref<!tpu.dma_semaphore, #tpu.memory_space<semaphore_mem>>) src(%dma_wait3A_177 : memref<40x128xf32, #tpu.memory_space<hbm>>) dst(%arg15 : memref<40x128xf32, #tpu.memory_space<vmem>>)
    %add3A_178 = arith.constant 9960 : i32
    %add3A_179 = arith.addi %mul3A_6, %add3A_178 : i32
    %dma_wait3A_180 = tpu.memref_slice %arg5[%add3A_179] : memref<320000xi32, #tpu.memory_space<hbm>> -> memref<40xi32, #tpu.memory_space<hbm>>
    %dma_wait3A_181 = tpu.memref_slice %arg5[%add3A_179] : memref<320000xi32, #tpu.memory_space<hbm>> -> memref<40xi32, #tpu.memory_space<hbm>>
    tpu.wait_dma2 semaphore(%arg24 : memref<!tpu.dma_semaphore, #tpu.memory_space<semaphore_mem>>) src(%dma_wait3A_181 : memref<40xi32, #tpu.memory_space<hbm>>) dst(%arg11 : memref<40xi32, #tpu.memory_space<vmem>>)
    %scan3A_182 = arith.constant 0 : i32
    %scan3A_183 = arith.constant 0 : i32
    %scan3A_184 = arith.constant 40 : i32
    %scan3A_185 = arith.addi %scan3A_183, %scan3A_184 : i32
    %scan3A_186 = arith.constant 1 : i32
    scf.for %scan3A_202 = %scan3A_183 to %scan3A_185 step %scan3A_186  : i32 {
      %get3A = arith.index_cast %scan3A_202 : i32 to index
      %get3A_203 = arith.constant 0 : index
      %get3A_204 = tpu.vector_load %arg13[%get3A, %get3A_203] {strides = array<i32>} : memref<40x128xf32, #tpu.memory_space<vmem>>, vector<1x16xf32>,
      %get3A_205 = vector.shape_cast %get3A_204 : vector<1x16xf32> to vector<16xf32>
      %get3A_206 = arith.index_cast %scan3A_202 : i32 to index
      %get3A_207 = arith.constant 0 : index
      %get3A_208 = tpu.vector_load %arg15[%get3A_206, %get3A_207] {strides = array<i32>} : memref<40x128xf32, #tpu.memory_space<vmem>>, vector<1x16xf32>,
      %get3A_209 = vector.shape_cast %get3A_208 : vector<1x16xf32> to vector<16xf32>
      %add3A_210 = arith.addf %get3A_205, %get3A_209 : vector<16xf32>
      %max3A = arith.constant 0.000000e+00 : f32
      %max3A_211 = vector.broadcast %max3A : f32 to vector<16xf32>
      %max3A_212 = arith.maximumf %add3A_210, %max3A_211 : vector<16xf32>
      %swap3A = arith.index_cast %scan3A_202 : i32 to index
      %swap3A_213 = arith.constant 0 : index
      %swap3A_214 = tpu.vector_load %arg13[%swap3A, %swap3A_213] {strides = array<i32>} : memref<40x128xf32, #tpu.memory_space<vmem>>, vector<1x16xf32>,
      %swap3A_215 = vector.shape_cast %swap3A_214 : vector<1x16xf32> to vector<16xf32>
      %swap3A_216 = vector.shape_cast %max3A_212 : vector<16xf32> to vector<1x16xf32>
      tpu.vector_store %arg13[%swap3A, %swap3A_213], %swap3A_216 {strides = array<i32>} : memref<40x128xf32, #tpu.memory_space<vmem>>, vector<1x16xf32>,
      %get3A_217 = arith.index_cast %scan3A_202 : i32 to index
      %get3A_218 = arith.constant 16 : index
      %get3A_219 = tpu.vector_load %arg13[%get3A_217, %get3A_218] {strides = array<i32>} : memref<40x128xf32, #tpu.memory_space<vmem>>, vector<1x16xf32>,
      %get3A_220 = vector.shape_cast %get3A_219 : vector<1x16xf32> to vector<16xf32>
      %get3A_221 = arith.index_cast %scan3A_202 : i32 to index
      %get3A_222 = arith.constant 16 : index
      %get3A_223 = tpu.vector_load %arg15[%get3A_221, %get3A_222] {strides = array<i32>} : memref<40x128xf32, #tpu.memory_space<vmem>>, vector<1x16xf32>,
      %get3A_224 = vector.shape_cast %get3A_223 : vector<1x16xf32> to vector<16xf32>
      %add3A_225 = arith.addf %get3A_220, %get3A_224 : vector<16xf32>
      %max3A_226 = arith.constant 0.000000e+00 : f32
      %max3A_227 = vector.broadcast %max3A_226 : f32 to vector<16xf32>
      %max3A_228 = arith.maximumf %add3A_225, %max3A_227 : vector<16xf32>
      %swap3A_229 = arith.index_cast %scan3A_202 : i32 to index
      %swap3A_230 = arith.constant 16 : index
      %swap3A_231 = tpu.vector_load %arg13[%swap3A_229, %swap3A_230] {strides = array<i32>} : memref<40x128xf32, #tpu.memory_space<vmem>>, vector<1x16xf32>,
      %swap3A_232 = vector.shape_cast %swap3A_231 : vector<1x16xf32> to vector<16xf32>
      %swap3A_233 = vector.shape_cast %max3A_228 : vector<16xf32> to vector<1x16xf32>
      tpu.vector_store %arg13[%swap3A_229, %swap3A_230], %swap3A_233 {strides = array<i32>} : memref<40x128xf32, #tpu.memory_space<vmem>>, vector<1x16xf32>,
      %get3A_234 = arith.index_cast %scan3A_202 : i32 to index
      %get3A_235 = arith.constant 32 : index
      %get3A_236 = tpu.vector_load %arg13[%get3A_234, %get3A_235] {strides = array<i32>} : memref<40x128xf32, #tpu.memory_space<vmem>>, vector<1x16xf32>,
      %get3A_237 = vector.shape_cast %get3A_236 : vector<1x16xf32> to vector<16xf32>
      %get3A_238 = arith.index_cast %scan3A_202 : i32 to index
      %get3A_239 = arith.constant 32 : index
      %get3A_240 = tpu.vector_load %arg15[%get3A_238, %get3A_239] {strides = array<i32>} : memref<40x128xf32, #tpu.memory_space<vmem>>, vector<1x16xf32>,
      %get3A_241 = vector.shape_cast %get3A_240 : vector<1x16xf32> to vector<16xf32>
      %add3A_242 = arith.addf %get3A_237, %get3A_241 : vector<16xf32>
      %max3A_243 = arith.constant 0.000000e+00 : f32
      %max3A_244 = vector.broadcast %max3A_243 : f32 to vector<16xf32>
      %max3A_245 = arith.maximumf %add3A_242, %max3A_244 : vector<16xf32>
      %swap3A_246 = arith.index_cast %scan3A_202 : i32 to index
      %swap3A_247 = arith.constant 32 : index
      %swap3A_248 = tpu.vector_load %arg13[%swap3A_246, %swap3A_247] {strides = array<i32>} : memref<40x128xf32, #tpu.memory_space<vmem>>, vector<1x16xf32>,
      %swap3A_249 = vector.shape_cast %swap3A_248 : vector<1x16xf32> to vector<16xf32>
      %swap3A_250 = vector.shape_cast %max3A_245 : vector<16xf32> to vector<1x16xf32>
      tpu.vector_store %arg13[%swap3A_246, %swap3A_247], %swap3A_250 {strides = array<i32>} : memref<40x128xf32, #tpu.memory_space<vmem>>, vector<1x16xf32>,
      %get3A_251 = arith.index_cast %scan3A_202 : i32 to index
      %get3A_252 = arith.constant 48 : index
      %get3A_253 = tpu.vector_load %arg13[%get3A_251, %get3A_252] {strides = array<i32>} : memref<40x128xf32, #tpu.memory_space<vmem>>, vector<1x16xf32>,
      %get3A_254 = vector.shape_cast %get3A_253 : vector<1x16xf32> to vector<16xf32>
      %get3A_255 = arith.index_cast %scan3A_202 : i32 to index
      %get3A_256 = arith.constant 48 : index
      %get3A_257 = tpu.vector_load %arg15[%get3A_255, %get3A_256] {strides = array<i32>} : memref<40x128xf32, #tpu.memory_space<vmem>>, vector<1x16xf32>,
      %get3A_258 = vector.shape_cast %get3A_257 : vector<1x16xf32> to vector<16xf32>
      %add3A_259 = arith.addf %get3A_254, %get3A_258 : vector<16xf32>
      %max3A_260 = arith.constant 0.000000e+00 : f32
      %max3A_261 = vector.broadcast %max3A_260 : f32 to vector<16xf32>
      %max3A_262 = arith.maximumf %add3A_259, %max3A_261 : vector<16xf32>
      %swap3A_263 = arith.index_cast %scan3A_202 : i32 to index
      %swap3A_264 = arith.constant 48 : index
      %swap3A_265 = tpu.vector_load %arg13[%swap3A_263, %swap3A_264] {strides = array<i32>} : memref<40x128xf32, #tpu.memory_space<vmem>>, vector<1x16xf32>,
      %swap3A_266 = vector.shape_cast %swap3A_265 : vector<1x16xf32> to vector<16xf32>
      %swap3A_267 = vector.shape_cast %max3A_262 : vector<16xf32> to vector<1x16xf32>
      tpu.vector_store %arg13[%swap3A_263, %swap3A_264], %swap3A_267 {strides = array<i32>} : memref<40x128xf32, #tpu.memory_space<vmem>>, vector<1x16xf32>,
      %get3A_268 = arith.index_cast %scan3A_202 : i32 to index
      %get3A_269 = arith.constant 64 : index
      %get3A_270 = tpu.vector_load %arg13[%get3A_268, %get3A_269] {strides = array<i32>} : memref<40x128xf32, #tpu.memory_space<vmem>>, vector<1x16xf32>,
      %get3A_271 = vector.shape_cast %get3A_270 : vector<1x16xf32> to vector<16xf32>
      %get3A_272 = arith.index_cast %scan3A_202 : i32 to index
      %get3A_273 = arith.constant 64 : index
      %get3A_274 = tpu.vector_load %arg15[%get3A_272, %get3A_273] {strides = array<i32>} : memref<40x128xf32, #tpu.memory_space<vmem>>, vector<1x16xf32>,
      %get3A_275 = vector.shape_cast %get3A_274 : vector<1x16xf32> to vector<16xf32>
      %add3A_276 = arith.addf %get3A_271, %get3A_275 : vector<16xf32>
      %max3A_277 = arith.constant 0.000000e+00 : f32
      %max3A_278 = vector.broadcast %max3A_277 : f32 to vector<16xf32>
      %max3A_279 = arith.maximumf %add3A_276, %max3A_278 : vector<16xf32>
      %swap3A_280 = arith.index_cast %scan3A_202 : i32 to index
      %swap3A_281 = arith.constant 64 : index
      %swap3A_282 = tpu.vector_load %arg13[%swap3A_280, %swap3A_281] {strides = array<i32>} : memref<40x128xf32, #tpu.memory_space<vmem>>, vector<1x16xf32>,
      %swap3A_283 = vector.shape_cast %swap3A_282 : vector<1x16xf32> to vector<16xf32>
      %swap3A_284 = vector.shape_cast %max3A_279 : vector<16xf32> to vector<1x16xf32>
      tpu.vector_store %arg13[%swap3A_280, %swap3A_281], %swap3A_284 {strides = array<i32>} : memref<40x128xf32, #tpu.memory_space<vmem>>, vector<1x16xf32>,
      %get3A_285 = arith.index_cast %scan3A_202 : i32 to index
      %get3A_286 = arith.constant 80 : index
      %get3A_287 = tpu.vector_load %arg13[%get3A_285, %get3A_286] {strides = array<i32>} : memref<40x128xf32, #tpu.memory_space<vmem>>, vector<1x16xf32>,
      %get3A_288 = vector.shape_cast %get3A_287 : vector<1x16xf32> to vector<16xf32>
      %get3A_289 = arith.index_cast %scan3A_202 : i32 to index
      %get3A_290 = arith.constant 80 : index
      %get3A_291 = tpu.vector_load %arg15[%get3A_289, %get3A_290] {strides = array<i32>} : memref<40x128xf32, #tpu.memory_space<vmem>>, vector<1x16xf32>,
      %get3A_292 = vector.shape_cast %get3A_291 : vector<1x16xf32> to vector<16xf32>
      %add3A_293 = arith.addf %get3A_288, %get3A_292 : vector<16xf32>
      %max3A_294 = arith.constant 0.000000e+00 : f32
      %max3A_295 = vector.broadcast %max3A_294 : f32 to vector<16xf32>
      %max3A_296 = arith.maximumf %add3A_293, %max3A_295 : vector<16xf32>
      %swap3A_297 = arith.index_cast %scan3A_202 : i32 to index
      %swap3A_298 = arith.constant 80 : index
      %swap3A_299 = tpu.vector_load %arg13[%swap3A_297, %swap3A_298] {strides = array<i32>} : memref<40x128xf32, #tpu.memory_space<vmem>>, vector<1x16xf32>,
      %swap3A_300 = vector.shape_cast %swap3A_299 : vector<1x16xf32> to vector<16xf32>
      %swap3A_301 = vector.shape_cast %max3A_296 : vector<16xf32> to vector<1x16xf32>
      tpu.vector_store %arg13[%swap3A_297, %swap3A_298], %swap3A_301 {strides = array<i32>} : memref<40x128xf32, #tpu.memory_space<vmem>>, vector<1x16xf32>,
      %get3A_302 = arith.index_cast %scan3A_202 : i32 to index
      %get3A_303 = arith.constant 96 : index
      %get3A_304 = tpu.vector_load %arg13[%get3A_302, %get3A_303] {strides = array<i32>} : memref<40x128xf32, #tpu.memory_space<vmem>>, vector<1x16xf32>,
      %get3A_305 = vector.shape_cast %get3A_304 : vector<1x16xf32> to vector<16xf32>
      %get3A_306 = arith.index_cast %scan3A_202 : i32 to index
      %get3A_307 = arith.constant 96 : index
      %get3A_308 = tpu.vector_load %arg15[%get3A_306, %get3A_307] {strides = array<i32>} : memref<40x128xf32, #tpu.memory_space<vmem>>, vector<1x16xf32>,
      %get3A_309 = vector.shape_cast %get3A_308 : vector<1x16xf32> to vector<16xf32>
      %add3A_310 = arith.addf %get3A_305, %get3A_309 : vector<16xf32>
      %max3A_311 = arith.constant 0.000000e+00 : f32
      %max3A_312 = vector.broadcast %max3A_311 : f32 to vector<16xf32>
      %max3A_313 = arith.maximumf %add3A_310, %max3A_312 : vector<16xf32>
      %swap3A_314 = arith.index_cast %scan3A_202 : i32 to index
      %swap3A_315 = arith.constant 96 : index
      %swap3A_316 = tpu.vector_load %arg13[%swap3A_314, %swap3A_315] {strides = array<i32>} : memref<40x128xf32, #tpu.memory_space<vmem>>, vector<1x16xf32>,
      %swap3A_317 = vector.shape_cast %swap3A_316 : vector<1x16xf32> to vector<16xf32>
      %swap3A_318 = vector.shape_cast %max3A_313 : vector<16xf32> to vector<1x16xf32>
      tpu.vector_store %arg13[%swap3A_314, %swap3A_315], %swap3A_318 {strides = array<i32>} : memref<40x128xf32, #tpu.memory_space<vmem>>, vector<1x16xf32>,
      %get3A_319 = arith.index_cast %scan3A_202 : i32 to index
      %get3A_320 = arith.constant 112 : index
      %get3A_321 = tpu.vector_load %arg13[%get3A_319, %get3A_320] {strides = array<i32>} : memref<40x128xf32, #tpu.memory_space<vmem>>, vector<1x16xf32>,
      %get3A_322 = vector.shape_cast %get3A_321 : vector<1x16xf32> to vector<16xf32>
      %get3A_323 = arith.index_cast %scan3A_202 : i32 to index
      %get3A_324 = arith.constant 112 : index
      %get3A_325 = tpu.vector_load %arg15[%get3A_323, %get3A_324] {strides = array<i32>} : memref<40x128xf32, #tpu.memory_space<vmem>>, vector<1x16xf32>,
      %get3A_326 = vector.shape_cast %get3A_325 : vector<1x16xf32> to vector<16xf32>
      %add3A_327 = arith.addf %get3A_322, %get3A_326 : vector<16xf32>
      %max3A_328 = arith.constant 0.000000e+00 : f32
      %max3A_329 = vector.broadcast %max3A_328 : f32 to vector<16xf32>
      %max3A_330 = arith.maximumf %add3A_327, %max3A_329 : vector<16xf32>
      %swap3A_331 = arith.index_cast %scan3A_202 : i32 to index
      %swap3A_332 = arith.constant 112 : index
      %swap3A_333 = tpu.vector_load %arg13[%swap3A_331, %swap3A_332] {strides = array<i32>} : memref<40x128xf32, #tpu.memory_space<vmem>>, vector<1x16xf32>,
      %swap3A_334 = vector.shape_cast %swap3A_333 : vector<1x16xf32> to vector<16xf32>
      %swap3A_335 = vector.shape_cast %max3A_330 : vector<16xf32> to vector<1x16xf32>
      tpu.vector_store %arg13[%swap3A_331, %swap3A_332], %swap3A_335 {strides = array<i32>} : memref<40x128xf32, #tpu.memory_space<vmem>>, vector<1x16xf32>,
    }
    %scan3A_187 = arith.constant 40 : i32
    %dma_start3A_188 = arith.constant 0 : i32
    %dma_start3A_189 = arith.constant 0 : i32
    %dma_start3A_190 = tpu.memref_slice %arg16[%dma_start3A_188, %dma_start3A_189] : memref<10240x128xf32, #tpu.memory_space<vmem_shared>> -> memref<10240x128xf32, #tpu.memory_space<vmem_shared>>
    tpu.enqueue_indirect_dma source(%arg13 : memref<40x128xf32, #tpu.memory_space<vmem>>) target(%dma_start3A_190 : memref<10240x128xf32, #tpu.memory_space<vmem_shared>>) offsets(%arg11 : memref<40xi32, #tpu.memory_space<vmem>>) semaphore(%arg26 : memref<!tpu.dma_semaphore, #tpu.memory_space<semaphore_mem>>) {add = true}
    %dma_wait3A_191 = arith.constant 0 : i32
    %dma_wait3A_192 = arith.constant 0 : i32
    %dma_wait3A_193 = tpu.memref_slice %arg16[%dma_wait3A_191, %dma_wait3A_192] : memref<10240x128xf32, #tpu.memory_space<vmem_shared>> -> memref<10240x128xf32, #tpu.memory_space<vmem_shared>>
    tpu.wait_indirect_dma semaphore(%arg26 : memref<!tpu.dma_semaphore, #tpu.memory_space<semaphore_mem>>) src(%arg13 : memref<40x128xf32, #tpu.memory_space<vmem>>) dst(%dma_wait3A_193 : memref<10240x128xf32, #tpu.memory_space<vmem_shared>>)
    %barrier3A_194 = arith.constant 0 : index
    tpu.barrier barrier_id(%barrier3A_194)
    %mul3A_195 = arith.constant 640 : i32
    %mul3A_196 = arith.muli %arg1, %mul3A_195 : i32
    %mul3A_197 = arith.constant 10240 : i32
    %mul3A_198 = arith.muli %arg0, %mul3A_197 : i32
    %mul3A_199 = arith.constant 640 : i32
    %mul3A_200 = arith.muli %arg1, %mul3A_199 : i32
    %add3A_201 = arith.addi %mul3A_198, %mul3A_200 : i32
    "tpu.region"() ({
      %run_scoped3A = tpu.sem_alloc : memref<!tpu.dma_semaphore, #tpu.memory_space<semaphore_mem>>
      %dma_start3A_202 = arith.constant 0 : i32
      %dma_start3A_203 = tpu.memref_slice %arg7[%add3A_201, %dma_start3A_202] : memref<20480x128xf32, #tpu.memory_space<hbm>> -> memref<640x128xf32, #tpu.memory_space<hbm>>
      %dma_start3A_204 = arith.constant 0 : i32
      %dma_start3A_205 = tpu.memref_slice %arg16[%mul3A_196, %dma_start3A_204] : memref<10240x128xf32, #tpu.memory_space<vmem_shared>> -> memref<640x128xf32, #tpu.memory_space<vmem_shared>>
      tpu.enqueue_dma source(%dma_start3A_205 : memref<640x128xf32, #tpu.memory_space<vmem_shared>>) target(%dma_start3A_203 : memref<640x128xf32, #tpu.memory_space<hbm>>) target_semaphore(%run_scoped3A : memref<!tpu.dma_semaphore, #tpu.memory_space<semaphore_mem>>)
      %dma_wait3A_206 = arith.constant 0 : i32
      %dma_wait3A_207 = tpu.memref_slice %arg7[%add3A_201, %dma_wait3A_206] : memref<20480x128xf32, #tpu.memory_space<hbm>> -> memref<640x128xf32, #tpu.memory_space<hbm>>
      %dma_wait3A_208 = arith.constant 0 : i32
      %dma_wait3A_209 = tpu.memref_slice %arg16[%mul3A_196, %dma_wait3A_208] : memref<10240x128xf32, #tpu.memory_space<vmem_shared>> -> memref<640x128xf32, #tpu.memory_space<vmem_shared>>
      tpu.wait_dma2 semaphore(%run_scoped3A : memref<!tpu.dma_semaphore, #tpu.memory_space<semaphore_mem>>) src(%dma_wait3A_209 : memref<640x128xf32, #tpu.memory_space<vmem_shared>>) dst(%dma_wait3A_207 : memref<640x128xf32, #tpu.memory_space<hbm>>)
      tpu.yield
    }) : () -> ()
    return
  }
}

module attributes {stable_mosaic.version = 14 : i64} {
  func.func @_mm_body(%arg0: i32, %arg1: memref<1280x128xf32, #tpu.memory_space<vmem>>, %arg2: memref<128x512xf32, #tpu.memory_space<vmem>>, %arg3: memref<1x512xf32, #tpu.memory_space<vmem>>, %arg4: memref<1280x512xf32, #tpu.memory_space<vmem>>) attributes {dimension_semantics = [#tpu.dimension_semantics<arbitrary>], iteration_bounds = array<i64: 8>, scalar_prefetch = 0 : i64, scratch_operands = 0 : i64, tpu.core_type = #tpu.core_type<tc>, window_params = [{transform_indices = @transform_0, window_bounds = array<i64: 1280, 128>}, {pipeline_mode = #tpu.pipeline_mode<synchronous>, transform_indices = @transform_1, window_bounds = array<i64: 128, 512>}, {pipeline_mode = #tpu.pipeline_mode<synchronous>, transform_indices = @transform_2, window_bounds = array<i64: 1, 512>}, {transform_indices = @transform_3, window_bounds = array<i64: 1280, 512>}]} {
    %get3A = arith.constant 0 : index
    %get3A_0 = arith.constant 0 : index
    %get3A_1 = vector.load %arg1[%get3A, %get3A_0] : memref<1280x128xf32, #tpu.memory_space<vmem>>, vector<1280x128xf32>
    %get3A_2 = arith.constant 0 : index
    %get3A_3 = arith.constant 0 : index
    %get3A_4 = vector.load %arg2[%get3A_2, %get3A_3] : memref<128x512xf32, #tpu.memory_space<vmem>>, vector<128x512xf32>
    %dot_general3A = arith.constant dense<0.000000e+00> : vector<1280x512xf32>
    %dot_general3A_5 = tpu.matmul %get3A_1, %get3A_4, %dot_general3A {dimension_numbers = #tpu.dot_dimension_numbers<[1], [0], [0], [1], [0, 0, 1, 1], [], []>, transpose_lhs_hint = false} : vector<1280x128xf32>, vector<128x512xf32>, vector<1280x512xf32> -> vector<1280x512xf32>
    %get3A_6 = arith.constant 0 : index
    %get3A_7 = arith.constant 0 : index
    %get3A_8 = vector.load %arg3[%get3A_6, %get3A_7] : memref<1x512xf32, #tpu.memory_space<vmem>>, vector<1x512xf32>
    %add3A = vector.broadcast %get3A_8 : vector<1x512xf32> to vector<1280x512xf32>
    %add3A_9 = arith.addf %dot_general3A_5, %add3A : vector<1280x512xf32>
    %swap3A = arith.constant 0 : index
    %swap3A_10 = arith.constant 0 : index
    %swap3A_11 = vector.load %arg4[%swap3A, %swap3A_10] : memref<1280x512xf32, #tpu.memory_space<vmem>>, vector<1280x512xf32>
    tpu.vector_store %arg4[%swap3A, %swap3A_10], %add3A_9 {strides = array<i32>} : memref<1280x512xf32, #tpu.memory_space<vmem>>, vector<1280x512xf32>,
    return
  }
  func.func @transform_0(%arg0: i32) -> (i32, i32) {
    %c0_i32 = arith.constant 0 : i32
    %c0_i32_0 = arith.constant 0 : i32
    return %arg0, %c0_i32 : i32, i32
  }
  func.func @transform_1(%arg0: i32) -> (i32, i32) {
    %c0_i32 = arith.constant 0 : i32
    %c0_i32_0 = arith.constant 0 : i32
    %c0_i32_1 = arith.constant 0 : i32
    return %c0_i32, %c0_i32_0 : i32, i32
  }
  func.func @transform_2(%arg0: i32) -> (i32, i32) {
    %c0_i32 = arith.constant 0 : i32
    %c0_i32_0 = arith.constant 0 : i32
    %c0_i32_1 = arith.constant 0 : i32
    return %c0_i32, %c0_i32_0 : i32, i32
  }
  func.func @transform_3(%arg0: i32) -> (i32, i32) {
    %c0_i32 = arith.constant 0 : i32
    %c0_i32_0 = arith.constant 0 : i32
    return %arg0, %c0_i32 : i32, i32
  }
}

module attributes {stable_mosaic.version = 14 : i64} {
  func.func @_mm_body(%arg0: i32, %arg1: memref<4000x16xf32, #tpu.memory_space<vmem>>, %arg2: memref<16x128xf32, #tpu.memory_space<vmem>>, %arg3: memref<1x128xf32, #tpu.memory_space<vmem>>, %arg4: memref<4000x128xf32, #tpu.memory_space<vmem>>) attributes {dimension_semantics = [#tpu.dimension_semantics<arbitrary>], iteration_bounds = array<i64: 80>, scalar_prefetch = 0 : i64, scratch_operands = 0 : i64, tpu.core_type = #tpu.core_type<tc>, window_params = [{transform_indices = @transform_0, window_bounds = array<i64: 4000, 16>}, {pipeline_mode = #tpu.pipeline_mode<synchronous>, transform_indices = @transform_1, window_bounds = array<i64: 16, 128>}, {pipeline_mode = #tpu.pipeline_mode<synchronous>, transform_indices = @transform_2, window_bounds = array<i64: 1, 128>}, {transform_indices = @transform_3, window_bounds = array<i64: 4000, 128>}]} {
    %get3A = arith.constant 0 : index
    %get3A_0 = arith.constant 0 : index
    %get3A_1 = vector.load %arg1[%get3A, %get3A_0] : memref<4000x16xf32, #tpu.memory_space<vmem>>, vector<4000x16xf32>
    %get3A_2 = arith.constant 0 : index
    %get3A_3 = arith.constant 0 : index
    %get3A_4 = vector.load %arg2[%get3A_2, %get3A_3] : memref<16x128xf32, #tpu.memory_space<vmem>>, vector<16x128xf32>
    %dot_general3A = arith.constant dense<0.000000e+00> : vector<4000x128xf32>
    %dot_general3A_5 = tpu.matmul %get3A_1, %get3A_4, %dot_general3A {dimension_numbers = #tpu.dot_dimension_numbers<[1], [0], [0], [1], [0, 0, 1, 1], [], []>, transpose_lhs_hint = false} : vector<4000x16xf32>, vector<16x128xf32>, vector<4000x128xf32> -> vector<4000x128xf32>
    %get3A_6 = arith.constant 0 : index
    %get3A_7 = arith.constant 0 : index
    %get3A_8 = vector.load %arg3[%get3A_6, %get3A_7] : memref<1x128xf32, #tpu.memory_space<vmem>>, vector<1x128xf32>
    %add3A = vector.broadcast %get3A_8 : vector<1x128xf32> to vector<4000x128xf32>
    %add3A_9 = arith.addf %dot_general3A_5, %add3A : vector<4000x128xf32>
    %swap3A = arith.constant 0 : index
    %swap3A_10 = arith.constant 0 : index
    %swap3A_11 = vector.load %arg4[%swap3A, %swap3A_10] : memref<4000x128xf32, #tpu.memory_space<vmem>>, vector<4000x128xf32>
    tpu.vector_store %arg4[%swap3A, %swap3A_10], %add3A_9 {strides = array<i32>} : memref<4000x128xf32, #tpu.memory_space<vmem>>, vector<4000x128xf32>,
    return
  }
  func.func @transform_0(%arg0: i32) -> (i32, i32) {
    %c0_i32 = arith.constant 0 : i32
    %c0_i32_0 = arith.constant 0 : i32
    return %arg0, %c0_i32 : i32, i32
  }
  func.func @transform_1(%arg0: i32) -> (i32, i32) {
    %c0_i32 = arith.constant 0 : i32
    %c0_i32_0 = arith.constant 0 : i32
    %c0_i32_1 = arith.constant 0 : i32
    return %c0_i32, %c0_i32_0 : i32, i32
  }
  func.func @transform_2(%arg0: i32) -> (i32, i32) {
    %c0_i32 = arith.constant 0 : i32
    %c0_i32_0 = arith.constant 0 : i32
    %c0_i32_1 = arith.constant 0 : i32
    return %c0_i32, %c0_i32_0 : i32, i32
  }
  func.func @transform_3(%arg0: i32) -> (i32, i32) {
    %c0_i32 = arith.constant 0 : i32
    %c0_i32_0 = arith.constant 0 : i32
    return %arg0, %c0_i32 : i32, i32
  }
}

module attributes {stable_mosaic.version = 14 : i64} {
  func.func @_gru_body(%arg0: i32, %arg1: memref<1280x128xf32, #tpu.memory_space<vmem>>, %arg2: memref<1280x128xf32, #tpu.memory_space<vmem>>, %arg3: memref<1280x128xf32, #tpu.memory_space<vmem>>, %arg4: memref<1280x384xf32, #tpu.memory_space<vmem>>, %arg5: memref<128x384xf32, #tpu.memory_space<vmem>>, %arg6: memref<1x384xf32, #tpu.memory_space<vmem>>, %arg7: memref<128x128xf32, #tpu.memory_space<vmem>>, %arg8: memref<128x384xf32, #tpu.memory_space<vmem>>, %arg9: memref<1x384xf32, #tpu.memory_space<vmem>>, %arg10: memref<1280x128xf32, #tpu.memory_space<vmem>>, %arg11: memref<1280x128xf32, #tpu.memory_space<vmem>>, %arg12: memref<1280x384xf32, #tpu.memory_space<vmem>>) attributes {dimension_semantics = [#tpu.dimension_semantics<arbitrary>], iteration_bounds = array<i64: 8>, scalar_prefetch = 0 : i64, scratch_operands = 0 : i64, tpu.core_type = #tpu.core_type<tc>, window_params = [{transform_indices = @transform_0, window_bounds = array<i64: 1280, 128>}, {transform_indices = @transform_1, window_bounds = array<i64: 1280, 128>}, {transform_indices = @transform_2, window_bounds = array<i64: 1280, 128>}, {transform_indices = @transform_3, window_bounds = array<i64: 1280, 384>}, {pipeline_mode = #tpu.pipeline_mode<synchronous>, transform_indices = @transform_4, window_bounds = array<i64: 128, 384>}, {pipeline_mode = #tpu.pipeline_mode<synchronous>, transform_indices = @transform_5, window_bounds = array<i64: 1, 384>}, {pipeline_mode = #tpu.pipeline_mode<synchronous>, transform_indices = @transform_6, window_bounds = array<i64: 128, 128>}, {pipeline_mode = #tpu.pipeline_mode<synchronous>, transform_indices = @transform_7, window_bounds = array<i64: 128, 384>}, {pipeline_mode = #tpu.pipeline_mode<synchronous>, transform_indices = @transform_8, window_bounds = array<i64: 1, 384>}, {transform_indices = @transform_9, window_bounds = array<i64: 1280, 128>}, {transform_indices = @transform_10, window_bounds = array<i64: 1280, 128>}, {transform_indices = @transform_11, window_bounds = array<i64: 1280, 384>}]} {
    %get3A = arith.constant 0 : index
    %get3A_0 = arith.constant 0 : index
    %get3A_1 = vector.load %arg1[%get3A, %get3A_0] : memref<1280x128xf32, #tpu.memory_space<vmem>>, vector<1280x128xf32>
    %get3A_2 = arith.constant 0 : index
    %get3A_3 = arith.constant 0 : index
    %get3A_4 = vector.load %arg2[%get3A_2, %get3A_3] : memref<1280x128xf32, #tpu.memory_space<vmem>>, vector<1280x128xf32>
    %add3A = arith.addf %get3A_1, %get3A_4 : vector<1280x128xf32>
    %get3A_5 = arith.constant 0 : index
    %get3A_6 = arith.constant 0 : index
    %get3A_7 = vector.load %arg5[%get3A_5, %get3A_6] : memref<128x384xf32, #tpu.memory_space<vmem>>, vector<128x384xf32>
    %dot_general3A = arith.constant dense<0.000000e+00> : vector<1280x384xf32>
    %dot_general3A_8 = tpu.matmul %add3A, %get3A_7, %dot_general3A {dimension_numbers = #tpu.dot_dimension_numbers<[1], [0], [0], [1], [0, 0, 1, 1], [], []>, transpose_lhs_hint = false} : vector<1280x128xf32>, vector<128x384xf32>, vector<1280x384xf32> -> vector<1280x384xf32>
    %get3A_9 = arith.constant 0 : index
    %get3A_10 = arith.constant 0 : index
    %get3A_11 = vector.load %arg6[%get3A_9, %get3A_10] : memref<1x384xf32, #tpu.memory_space<vmem>>, vector<1x384xf32>
    %add3A_12 = vector.broadcast %get3A_11 : vector<1x384xf32> to vector<1280x384xf32>
    %add3A_13 = arith.addf %dot_general3A_8, %add3A_12 : vector<1280x384xf32>
    %get3A_14 = arith.constant 0 : index
    %get3A_15 = arith.constant 0 : index
    %get3A_16 = vector.load %arg4[%get3A_14, %get3A_15] : memref<1280x384xf32, #tpu.memory_space<vmem>>, vector<1280x384xf32>
    %get3A_17 = arith.constant 0 : index
    %get3A_18 = arith.constant 0 : index
    %get3A_19 = vector.load %arg3[%get3A_17, %get3A_18] : memref<1280x128xf32, #tpu.memory_space<vmem>>, vector<1280x128xf32>
    %slice3A = vector.extract_strided_slice %add3A_13 {offsets = [0, 0], sizes = [1280, 128], strides = [1, 1]} : vector<1280x384xf32> to vector<1280x128xf32>
    %slice3A_20 = vector.extract_strided_slice %add3A_13 {offsets = [0, 128], sizes = [1280, 128], strides = [1, 1]} : vector<1280x384xf32> to vector<1280x128xf32>
    %slice3A_21 = vector.extract_strided_slice %add3A_13 {offsets = [0, 256], sizes = [1280, 128], strides = [1, 1]} : vector<1280x384xf32> to vector<1280x128xf32>
    %slice3A_22 = vector.extract_strided_slice %get3A_16 {offsets = [0, 0], sizes = [1280, 128], strides = [1, 1]} : vector<1280x384xf32> to vector<1280x128xf32>
    %slice3A_23 = vector.extract_strided_slice %get3A_16 {offsets = [0, 128], sizes = [1280, 128], strides = [1, 1]} : vector<1280x384xf32> to vector<1280x128xf32>
    %slice3A_24 = vector.extract_strided_slice %get3A_16 {offsets = [0, 256], sizes = [1280, 128], strides = [1, 1]} : vector<1280x384xf32> to vector<1280x128xf32>
    %add3A_25 = arith.addf %slice3A, %slice3A_22 : vector<1280x128xf32>
    %logistic3A = arith.negf %add3A_25 : vector<1280x128xf32>
    %logistic3A_26 = math.exp %logistic3A : vector<1280x128xf32>
    %logistic3A_27 = arith.constant 1.000000e+00 : f32
    %logistic3A_28 = vector.broadcast %logistic3A_27 : f32 to vector<1280x128xf32>
    %logistic3A_29 = arith.addf %logistic3A_28, %logistic3A_26 : vector<1280x128xf32>
    %logistic3A_30 = arith.divf %logistic3A_28, %logistic3A_29 : vector<1280x128xf32>
    %add3A_31 = arith.addf %slice3A_20, %slice3A_23 : vector<1280x128xf32>
    %logistic3A_32 = arith.negf %add3A_31 : vector<1280x128xf32>
    %logistic3A_33 = math.exp %logistic3A_32 : vector<1280x128xf32>
    %logistic3A_34 = arith.constant 1.000000e+00 : f32
    %logistic3A_35 = vector.broadcast %logistic3A_34 : f32 to vector<1280x128xf32>
    %logistic3A_36 = arith.addf %logistic3A_35, %logistic3A_33 : vector<1280x128xf32>
    %logistic3A_37 = arith.divf %logistic3A_35, %logistic3A_36 : vector<1280x128xf32>
    %mul3A = arith.mulf %logistic3A_30, %slice3A_24 : vector<1280x128xf32>
    %add3A_38 = arith.addf %slice3A_21, %mul3A : vector<1280x128xf32>
    %tanh3A = math.tanh %add3A_38 : vector<1280x128xf32>
    %sub3A = arith.constant 1.000000e+00 : f32
    %sub3A_39 = vector.broadcast %sub3A : f32 to vector<1280x128xf32>
    %sub3A_40 = arith.subf %sub3A_39, %logistic3A_37 : vector<1280x128xf32>
    %mul3A_41 = arith.mulf %sub3A_40, %tanh3A : vector<1280x128xf32>
    %mul3A_42 = arith.mulf %logistic3A_37, %get3A_19 : vector<1280x128xf32>
    %add3A_43 = arith.addf %mul3A_41, %mul3A_42 : vector<1280x128xf32>
    %swap3A = arith.constant 0 : index
    %swap3A_44 = arith.constant 0 : index
    %swap3A_45 = vector.load %arg10[%swap3A, %swap3A_44] : memref<1280x128xf32, #tpu.memory_space<vmem>>, vector<1280x128xf32>
    tpu.vector_store %arg10[%swap3A, %swap3A_44], %add3A_43 {strides = array<i32>} : memref<1280x128xf32, #tpu.memory_space<vmem>>, vector<1280x128xf32>,
    %get3A_46 = arith.constant 0 : index
    %get3A_47 = arith.constant 0 : index
    %get3A_48 = vector.load %arg7[%get3A_46, %get3A_47] : memref<128x128xf32, #tpu.memory_space<vmem>>, vector<128x128xf32>
    %dot_general3A_49 = arith.constant dense<0.000000e+00> : vector<1280x128xf32>
    %dot_general3A_50 = tpu.matmul %add3A_43, %get3A_48, %dot_general3A_49 {dimension_numbers = #tpu.dot_dimension_numbers<[1], [0], [0], [1], [0, 0, 1, 1], [], []>, transpose_lhs_hint = false} : vector<1280x128xf32>, vector<128x128xf32>, vector<1280x128xf32> -> vector<1280x128xf32>
    %swap3A_51 = arith.constant 0 : index
    %swap3A_52 = arith.constant 0 : index
    %swap3A_53 = vector.load %arg11[%swap3A_51, %swap3A_52] : memref<1280x128xf32, #tpu.memory_space<vmem>>, vector<1280x128xf32>
    tpu.vector_store %arg11[%swap3A_51, %swap3A_52], %dot_general3A_50 {strides = array<i32>} : memref<1280x128xf32, #tpu.memory_space<vmem>>, vector<1280x128xf32>,
    %get3A_54 = arith.constant 0 : index
    %get3A_55 = arith.constant 0 : index
    %get3A_56 = vector.load %arg8[%get3A_54, %get3A_55] : memref<128x384xf32, #tpu.memory_space<vmem>>, vector<128x384xf32>
    %dot_general3A_57 = arith.constant dense<0.000000e+00> : vector<1280x384xf32>
    %dot_general3A_58 = tpu.matmul %add3A_43, %get3A_56, %dot_general3A_57 {dimension_numbers = #tpu.dot_dimension_numbers<[1], [0], [0], [1], [0, 0, 1, 1], [], []>, transpose_lhs_hint = false} : vector<1280x128xf32>, vector<128x384xf32>, vector<1280x384xf32> -> vector<1280x384xf32>
    %get3A_59 = arith.constant 0 : index
    %get3A_60 = arith.constant 0 : index
    %get3A_61 = vector.load %arg9[%get3A_59, %get3A_60] : memref<1x384xf32, #tpu.memory_space<vmem>>, vector<1x384xf32>
    %add3A_62 = vector.broadcast %get3A_61 : vector<1x384xf32> to vector<1280x384xf32>
    %add3A_63 = arith.addf %dot_general3A_58, %add3A_62 : vector<1280x384xf32>
    %swap3A_64 = arith.constant 0 : index
    %swap3A_65 = arith.constant 0 : index
    %swap3A_66 = vector.load %arg12[%swap3A_64, %swap3A_65] : memref<1280x384xf32, #tpu.memory_space<vmem>>, vector<1280x384xf32>
    tpu.vector_store %arg12[%swap3A_64, %swap3A_65], %add3A_63 {strides = array<i32>} : memref<1280x384xf32, #tpu.memory_space<vmem>>, vector<1280x384xf32>,
    return
  }
  func.func @transform_0(%arg0: i32) -> (i32, i32) {
    %c0_i32 = arith.constant 0 : i32
    %c0_i32_0 = arith.constant 0 : i32
    return %arg0, %c0_i32 : i32, i32
  }
  func.func @transform_1(%arg0: i32) -> (i32, i32) {
    %c0_i32 = arith.constant 0 : i32
    %c0_i32_0 = arith.constant 0 : i32
    return %arg0, %c0_i32 : i32, i32
  }
  func.func @transform_2(%arg0: i32) -> (i32, i32) {
    %c0_i32 = arith.constant 0 : i32
    %c0_i32_0 = arith.constant 0 : i32
    return %arg0, %c0_i32 : i32, i32
  }
  func.func @transform_3(%arg0: i32) -> (i32, i32) {
    %c0_i32 = arith.constant 0 : i32
    %c0_i32_0 = arith.constant 0 : i32
    return %arg0, %c0_i32 : i32, i32
  }
  func.func @transform_4(%arg0: i32) -> (i32, i32) {
    %c0_i32 = arith.constant 0 : i32
    %c0_i32_0 = arith.constant 0 : i32
    %c0_i32_1 = arith.constant 0 : i32
    return %c0_i32, %c0_i32_0 : i32, i32
  }
  func.func @transform_5(%arg0: i32) -> (i32, i32) {
    %c0_i32 = arith.constant 0 : i32
    %c0_i32_0 = arith.constant 0 : i32
    %c0_i32_1 = arith.constant 0 : i32
    return %c0_i32, %c0_i32_0 : i32, i32
  }
  func.func @transform_6(%arg0: i32) -> (i32, i32) {
    %c0_i32 = arith.constant 0 : i32
    %c0_i32_0 = arith.constant 0 : i32
    %c0_i32_1 = arith.constant 0 : i32
    return %c0_i32, %c0_i32_0 : i32, i32
  }
  func.func @transform_7(%arg0: i32) -> (i32, i32) {
    %c0_i32 = arith.constant 0 : i32
    %c0_i32_0 = arith.constant 0 : i32
    %c0_i32_1 = arith.constant 0 : i32
    return %c0_i32, %c0_i32_0 : i32, i32
  }
  func.func @transform_8(%arg0: i32) -> (i32, i32) {
    %c0_i32 = arith.constant 0 : i32
    %c0_i32_0 = arith.constant 0 : i32
    %c0_i32_1 = arith.constant 0 : i32
    return %c0_i32, %c0_i32_0 : i32, i32
  }
  func.func @transform_9(%arg0: i32) -> (i32, i32) {
    %c0_i32 = arith.constant 0 : i32
    %c0_i32_0 = arith.constant 0 : i32
    return %arg0, %c0_i32 : i32, i32
  }
  func.func @transform_10(%arg0: i32) -> (i32, i32) {
    %c0_i32 = arith.constant 0 : i32
    %c0_i32_0 = arith.constant 0 : i32
    return %arg0, %c0_i32 : i32, i32
  }
  func.func @transform_11(%arg0: i32) -> (i32, i32) {
    %c0_i32 = arith.constant 0 : i32
    %c0_i32_0 = arith.constant 0 : i32
    return %arg0, %c0_i32 : i32, i32
  }
}

</mosaic_0001>

<sc_bundles>
// kernel: closed_call.17.cloned.1.call-start
scs
__scs_entry_jumppad:
0x0: {  	(pc) =	sbr.rel $0x88, $3  }
0x1: {  	(tag) =	ssettag $0x0;
	lr =	simm.s32 $0x1  }
0x2: {  	[smem:$0x3F97] =	sst lr;
	_ =	strace $0xD0000000  }
0x3: {  	_ = 	snop  }
0x4: {  	_ = 	snop  }
0x5: {  	_ = 	snop  }
0x6: {  	_ = 	snop  }
0x7: {  	_ = 	snop  }
__scs_overlays_trampoline_lowered:
0x8: {  	[smem:$0x3FA6] =	sst s0  }
0x9: {  	[smem:$0x3FA7] =	sst s1  }
0xa: {  	[smem:$0x3FA8] =	sst s2  }
0xb: {  	[smem:$0x3FA9] =	sst s3  }
0xc: {  	[smem:$0x3FAA] =	sst s4  }
0xd: {  	[smem:$0x3FAB] =	sst s5  }
0xe: {  	[smem:$0x3FAC] =	sst s6  }
0xf: {  	[smem:$0x3FAD] =	sst s7  }
0x10: {  	[smem:$0x3FAE] =	sst s8  }
0x11: {  	[smem:$0x3FAF] =	sst s9;
	s0 =	simm.s32 @!p0 $0x0  }
0x12: {  	s1 =	sld [smem:$0x3F95];
	s0 =	simm.s32 @p0 $0x1  }
0x13: {  	[smem:$0x3FB0] =	sst s0;
	s0 =	simm.s32 @!p1 $0x0  }
0x14: {  	s2 =	sld [smem:$0x3F94];
	s0 =	simm.s32 @p1 $0x1  }
0x15: {  	[smem:$0x3FB1] =	sst s0;
	s0 =	simm.s32 @!p2 $0x0  }
0x16: {  	s3 =	sld [smem:$0x3FDB];
	s0 =	simm.s32 @p2 $0x1  }
0x17: {  	s4 =	simm.s32 $0x1BF5;
	[smem:$0x3FB3] =	sst s0  }
0x18: {  	s0 =	sld [smem:$0x3F96];
	_ =	swait.ge [sflag:s4], $0x0  }
0x19: {  	s7 =	sld [smem:$0x3F97]  }
0x1a: {  	s8 =	sadd.s32 $0xFFFFE003, lr  }
0x1b: {  	s9 =	sadd.s32 $0xFFFFFEF7, lr;
	s5 =	simm.s32 $0xFFFFFFFF;
	p2 =	slt.u32 s8, $0xFFFFF086  }
0x1c: {  	p1 =	slt.u32 s9, $0xF7A;
	s5 =	simm.s32 @!p2 $0x0  }
0x1d: {  	s5 =	simm.s32 @p1 $0x1;
	p0 =	seq.s32 s7, s2  }
0x1e: {  	s7 =	smul.u32 @!p0 $0xF7A, s2;
	p2 =	seq.s32 @!p0 s5, $0x0  }
0x1f: {  	s9 =	smul.u32 $0xF7A, s1;
	s8 =	simm.s32 @!p0 $0x1BF5;
	p2 =	por !p2, p0  }
0x20: {  	[sflag:s8] =	ssyncset.s32 @!p0 $0xFFFFF086;
	s6 =	sadd.s32 @!p0 s3, s7;
	s7 =	simm.s32 @!p0 $0x108  }
0x21: {  	s3 =	sadd.s32 s3, s9;
	s6 =	sadd.s32 @!p0 $0x88, s6;
	s7 =	simm.s32 @p2 $0x1082  }
0x22: {  	[simem:s7], [sflag:s8] =	dma.local @!p0 [hbm:s6], $0xF7A  }
0x23: {  	s9 =	sor.u32 $0xD0000000, s2;
	s6 =	simm.s32 $0x108;
	_ =	swait.ge @!p0 [sflag:s8], $0x0  }
0x24: {  	s3 =	sadd.s32 $0x88, s3;
	s6 =	simm.s32 @!p1 $0x1082;
	[sflag:s4] =	ssyncset.s32 $0xFFFFF086  }
0x25: {  	[simem:s6], [sflag:s4] =	dma.local [hbm:s3], $0xF7A  }
0x26: {  	[smem:$0x3F97] =	sst s1;
	(tag) =	ssettag s2;
	_ =	strace s9  }
0x27: {  	s1 =	sld [smem:$0x3FA7]  }
0x28: {  	s2 =	sld [smem:$0x3FA8]  }
0x29: {  	s4 =	sld [smem:$0x3FAA]  }
0x2a: {  	p0 =	seq.s32 s5, $0x0;
	s5 =	sld [smem:$0x3FAB]  }
0x2b: {  	s6 =	sld [smem:$0x3FAC]  }
0x2c: {  	s7 =	sld [smem:$0x3FAD]  }
0x2d: {  	s3 =	simm.s32 $0x108;
	s8 =	sld [smem:$0x3FAE]  }
0x2e: {  	s3 =	simm.s32 @!p0 $0x1082;
	s9 =	sld [smem:$0x3FAF]  }
0x2f: {  	lr =	sadd.s32 s0, s3;
	s0 =	sld [smem:$0x3FA6]  }
0x30: {  	s3 =	sld [smem:$0x3FA9]  }
0x31: {  	[smem:$0x3FB2] =	sst s10  }
0x32: {  	s10 =	sld [smem:$0x3FB0];
	_ =	sdelay $0x3  }
0x33: {  	p0 =	seq.s32 s10, $0x1;
	s10 =	sld [smem:$0x3FB2];
	_ =	sdelay $0x3  }
0x34: {  	[smem:$0x3FB2] =	sst s10  }
0x35: {  	s10 =	sld [smem:$0x3FB1];
	_ =	sdelay $0x3  }
0x36: {  	p1 =	seq.s32 s10, $0x1;
	s10 =	sld [smem:$0x3FB2];
	_ =	sdelay $0x3  }
0x37: {  	[smem:$0x3FB2] =	sst s10  }
0x38: {  	s10 =	sld [smem:$0x3FB3]  }
0x39: {  	_ = 	snop;
	(pc) =	sbr.ind lr, $3  }
0x3a: {  	_ = 	snop  }
0x3b: {  	_ = 	snop  }
0x3c: {  	p2 =	seq.s32 s10, $0x1;
	s10 =	sld [smem:$0x3FB2]  }
0x3d: {  	_ =	shalt  }
0x3e: {  	_ =	shalt  }
0x3f: {  	_ =	shalt  }
0x40: {  	_ =	shalt  }
0x41: {  	_ =	shalt  }
0x42: {  	_ =	shalt  }
0x43: {  	_ =	shalt  }
0x44: {  	_ =	shalt  }
0x45: {  	_ =	shalt  }
0x46: {  	_ =	shalt  }
0x47: {  	_ =	shalt  }
0x48: {  	_ =	shalt  }
0x49: {  	_ =	shalt  }
0x4a: {  	_ =	shalt  }
0x4b: {  	_ =	shalt  }
0x4c: {  	_ =	shalt  }
0x4d: {  	_ =	shalt  }
0x4e: {  	_ =	shalt  }
0x4f: {  	_ =	shalt  }
0x50: {  	_ =	shalt  }
0x51: {  	_ =	shalt  }
0x52: {  	_ =	shalt  }
0x53: {  	_ =	shalt  }
0x54: {  	_ =	shalt  }
0x55: {  	_ =	shalt  }
0x56: {  	_ =	shalt  }
0x57: {  	_ =	shalt  }
0x58: {  	_ =	shalt  }
0x59: {  	_ =	shalt  }
0x5a: {  	_ =	shalt  }
0x5b: {  	_ =	shalt  }
0x5c: {  	_ =	shalt  }
0x5d: {  	_ =	shalt  }
0x5e: {  	_ =	shalt  }
0x5f: {  	_ =	shalt  }
0x60: {  	_ =	shalt  }
0x61: {  	_ =	shalt  }
0x62: {  	_ =	shalt  }
0x63: {  	_ =	shalt  }
0x64: {  	_ =	shalt  }
0x65: {  	_ =	shalt  }
0x66: {  	_ =	shalt  }
0x67: {  	_ =	shalt  }
0x68: {  	_ =	shalt  }
0x69: {  	_ =	shalt  }
0x6a: {  	_ =	shalt  }
0x6b: {  	_ =	shalt  }
0x6c: {  	_ =	shalt  }
0x6d: {  	_ =	shalt  }
0x6e: {  	_ =	shalt  }
0x6f: {  	_ =	shalt  }
0x70: {  	_ =	shalt  }
0x71: {  	_ =	shalt  }
0x72: {  	_ =	shalt  }
0x73: {  	_ =	shalt  }
0x74: {  	_ =	shalt  }
0x75: {  	_ =	shalt  }
0x76: {  	_ =	shalt  }
0x77: {  	_ =	shalt  }
0x78: {  	_ =	shalt  }
0x79: {  	_ =	shalt  }
0x7a: {  	_ =	shalt  }
0x7b: {  	_ =	shalt  }
0x7c: {  	_ =	shalt  }
0x7d: {  	_ =	shalt  }
0x7e: {  	_ =	shalt  }
0x7f: {  	_ =	shalt  }
0x80: {  	_ =	shalt  }
0x81: {  	_ =	shalt  }
0x82: {  	_ =	shalt  }
0x83: {  	_ =	shalt  }
0x84: {  	_ =	shalt  }
0x85: {  	_ =	shalt  }
0x86: {  	_ =	shalt  }
0x87: {  	_ =	shalt  }
.Lfunc_end0:
.L_simem_size_0:
called_computation_lowered:
.L_overlay_start_0:
0x88: {  	s2 =	sld [smem:$0x3FD9]  }
0x89: {  	s3 =	sld [smem:$0x3FFE];
	_ =	sdelay $0x1  }
0x8a: {  	s1 =	srdreg.scid  }
0x8b: {  	s0 =	sand.u32 $0x1, s1  }
0x8c: {  	s17 =	sshll.u32 s0, $0xA;
	s2 =	sadd.s32 s3, s2  }
0x8d: {  	s2 =	sadd.s32 s2, s17  }
0x8e: {  	[smem:$0x3FBE] =	sst s2  }
0x8f: {  	_ = 	snop  }
0x90: {  	s2 =	sld [smem:$0x3FC7]  }
0x91: {  	s18 =	sld [smem:$0x3FC6];
	(tm) =	ssettm $0x1  }
0x92: {  	s4 =	sld [smem:$0x3FFB];
	_ =	sdelay $0x3  }
0x93: {  	_ =	strace s4  }
0x94: {  	s4 =	sld [smem:$0x3FFC];
	_ =	sdelay $0x3  }
0x95: {  	_ =	strace s4  }
0x96: {  	s4 =	sld [smem:$0x3FFD];
	_ =	sdelay $0x3  }
0x97: {  	_ =	strace s4  }
0x98: {  	_ =	strace $0x8FFFFFFF  }
0x99: {  	s19 =	sld [smem:$0x3FDB];
	_ =	sdelay $0x1  }
0x9a: {  	s5 =	simm.s32 $_scs_section_size  }
0x9b: {  	s6 =	simm.s32 $_size__tile_overlayer_lowered;
	s7 =	simm.s32 $_tile_overlayer_lowered  }
0x9c: {  	s22 =	simm.s32 $0x1BFF;
	s21 =	sshll.u32 s7, $0x1;
	s4 =	sadd.s32 s5, s19  }
0x9d: {  	s8 =	simm.s32 $0x0;
	s20 =	sshll.u32 s6, $0x1;
	s6 =	sadd.s32 s21, s4  }
0x9e: {  	[timem:s8], [sflag:s22] =	dma.local [hbm:s6], s20  }
0x9f: {  	_ =	swait.ge [sflag:s22], s20  }
0xa0: {  	s5 =	ssub.s32 $0x0, s20;
	[sflag:s22] =	ssyncset.done $0x0  }
0xa1: {  	[sflag:s22] =	ssyncadd.s32 s5;
	_ =	sdelay $0x1  }
0xa2: {  	s23 =	simm.s32 $0x1B8B  }
0xa3: {  	_ =	swait.ge [sflag:s23], $0x1  }
0xa4: {  	[sflag:s23] =	ssyncset.done $0x0  }
0xa5: {  	s25 =	simm.s32 $0x1B8E;
	s24 =	sld [smem:$0x3FFE];
	[sflag:s23] =	ssyncadd.s32 $0xFFFFFFFF  }
0xa6: {  	s26 =	simm.s32 $execute0_lowered;
	[smem:$0x3FD2] =	sst s25  }
0xa7: {  	s6 =	sshll.u32 s26, $0x1;
	_ =	strace $0x80000046;
	[dreg:$0x1] =	wrdreg $0xFFFFFFFF  }
0xa8: {  	s28 =	simm.s32 $_size_execute0_lowered;
	s4 =	sadd.s32 s4, s6;
	[dreg:$0x0] =	wrdreg $0x0  }
0xa9: {  	s6 =	sshll.u32 s28, $0x1;
	[dreg:$0x2] =	wrdreg s4  }
0xaa: {  	[dreg:$0x3] =	wrdreg s6  }
0xab: {  	[dreg:$0x4] =	wrdreg $0xC0  }
0xac: {  	_ =	task [dreg:s8], $0x5FFFF  }
0xad: {  	[dreg:$0x1] =	wrdreg $0xFFFFFFFF  }
0xae: {  	[dreg:$0x0] =	wrdreg $0x60  }
0xaf: {  	[dreg:$0x2] =	wrdreg s24  }
0xb0: {  	[dreg:$0x3] =	wrdreg s2  }
0xb1: {  	[dreg:$0x4] =	wrdreg s18  }
0xb2: {  	[dreg:$0x5] =	wrdreg $0x52000  }
0xb3: {  	[dreg:$0x6] =	wrdreg $0x9  }
0xb4: {  	_ =	task.clear_ibuf [dreg:s8], $0x7FFFF;
	_ =	strace $0x90000046  }
0xb5: {  	s29 =	simm.s32 $0x9;
	_ =	strace $0x80000048  }
0xb6: {  	_ =	swait.ge [sflag:s29], $0x1  }
0xb7: {  	[sflag:s29] =	ssyncadd.s32 $0xFFFFFFFF  }
0xb8: {  	_ =	strace $0x90000048  }
0xb9: {  	_ =	sfence  }
0xba: {  	s30 =	sld [smem:$0x0];
	_ =	sdelay $0x2  }
0xbb: {  	s31 =	sshll.u32 s1, $0xD;
	s1 =	sshrl.u32 s1, $0x2  }
0xbc: {  	s3 =	sand.u32 $0x4000, s31;
	s1 =	sadd.s32 s1, s30  }
0xbd: {  	s0 =	sor.u32 s3, s0;
	s1 =	sshll.u32 s1, $0x11  }
0xbe: {  	s0 =	sor.u32 s1, s0  }
0xbf: {  	s0 =	sadd.s32 $0x8F2B, s0  }
0xc0: {  	[sflag:s0] =	ssyncadd.remote.s32 $0x1  }
0xc1: {  	_ =	sfence.sel $0xFFFF  }
0xc2: {  	[dreg:$0x0] =	wrdreg $0xFFFFFFFF;
	(pc) =	sbr.abs _section_cstart, $3  }
0xc3: {  	[dreg:$0x1] =	wrdreg $0xFFFFFFFF  }
0xc4: {  	_ =	task.clear_ibuf [dreg:s8], $0x2FFFF;
	_ =	strace $0x9FFFFFFF  }
0xc5: {  	(tm) =	ssettm $0x7FFFFFFF  }
tec
execute0_lowered:
.L_overlay_start_1:
0x0: {  	(tag) =	ssettag $0x1  }
0x1: {  	s0 =	rddreg [dreg:$0x0]  }
0x2: {  	s1 =	rddreg [dreg:$0x1]  }
0x3: {  	s3 =	rddreg [dreg:$0x2]  }
0x4: {  	s4 =	rddreg [dreg:$0x3];
	s6 =	simm.s32 $0x0;
	s5 =	stileid.u32  }
0x5: {  	s2 =	srdreg.scid;
	s30 =	simm.s32 $0x100;
	s31 =	simm.s32 $0x5  }
0x6: {  	[smem:$0x7FF] =	sst s6;
	s8 =	smul.u32 $0x2800, s5;
	s2 =	sand.u32 $0x1, s2  }
0x7: {  	s6 =	sadd.s32 $0x2AE00, s0;
	s7 =	sadd.s32 $0x624E00, s0;
	s22 =	sshll.u32 s5, $0x1  }
0x8: {  	s11 =	smul.u32 $0x50000, s5;
	s28 =	sshll.u32 s5, $0x6;
	_ =	strace $0x80000047  }
0x9: {  	s9 =	smul.u32 $0x28000, s2;
	s23 =	ssub.s32 $0x2, s2;
	s2 =	sor.u32 s2, s22  }
0xa: {  	s14 =	sor.u32 $0x1C0B, s28;
	s10 =	sadd.s32 s8, s0;
	s12 =	smul.u32 $0x2710, s2  }
0xb: {  	s24 =	sshrl.u32 s23, $0x1;
	s11 =	sshrl.u32 s11, $0x2;
	s2 =	smul.u32 $0x27100, s2  }
0xc: {  	[dreg:$0x7] =	wrdreg s14;
	s8 =	sadd.s32 s8, s9;
	s25 =	sadd.s32 s11, s4  }
0xd: {  	s26 =	sadd.s32 $0x52E00, s10;
	s10 =	simm.s32 $0x0;
	[dreg:$0x5] =	wrdreg s25  }
0xe: {  	s0 =	sadd.s32 s8, s0;
	s8 =	ssub.s32 s23, s24;
	[dreg:$0x6] =	wrdreg s26  }
0xf: {  	s29 =	sshrl.u32 s12, $0x3;
	s13 =	sadd.s32 $0x28, s12;
	s2 =	sadd.s32 s7, s2  }
0x10: {  	s18 =	sadd.s32 $0x50, s12;
	s25 =	sadd.s32 $0x26E8, s12;
	s11 =	sadd.s32 s1, s29  }
0x11: {  	s15 =	sadd.s32 s3, s29;
	[dreg:$0xa] =	wrdreg s2;
	s16 =	sshrl.u32 s13, $0x3  }
0x12: {  	s9 =	sshll.u32 s13, $0x4;
	s20 =	sshrl.u32 s18, $0x3;
	s22 =	sshll.u32 s18, $0x4  }
0x13: {  	s18 =	sadd.s32 $0x78, s12;
	s26 =	sshrl.u32 s25, $0x3;
	s0 =	sadd.s32 $0x7AE00, s0  }
0x14: {  	s29 =	smax.u32 s8, $0x1;
	s8 =	simm.s32 $0xB;
	[dreg:$0x8] =	wrdreg s11  }
0x15: {  	s13 =	simm.s32 $0x1600;
	[dreg:$0x9] =	wrdreg s15;
	s17 =	sadd.s32 s1, s16  }
0x16: {  	s2 =	sadd.s32 s3, s16;
	s19 =	sadd.s32 s7, s9;
	[dreg:$0x14] =	wrdreg s0  }
0x17: {  	s21 =	sadd.s32 s1, s20;
	s23 =	sadd.s32 s7, s22;
	[dreg:$0x15] =	wrdreg s29  }
0x18: {  	s24 =	sshrl.u32 s18, $0x3;
	s22 =	sadd.s32 $0xA0, s12;
	[dreg:$0xb] =	wrdreg s17  }
0x19: {  	s28 =	sadd.s32 s3, s26;
	s0 =	simm.s32 $0x28;
	[dreg:$0xc] =	wrdreg s2  }
0x1a: {  	s9 =	simm.s32 $0x80;
	s11 =	simm.s32 $0x180;
	[dreg:$0xd] =	wrdreg s19  }
0x1b: {  	s15 =	simm.s32 $0x1;
	s16 =	simm.s32 $0x3;
	[dreg:$0xe] =	wrdreg s21  }
0x1c: {  	s2 =	sadd.s32 s3, s20;
	[dreg:$0x10] =	wrdreg s23;
	s23 =	sadd.s32 $0xC8, s12  }
0x1d: {  	[dreg:$0x12] =	wrdreg s28;
	s12 =	simm.s32 $0x6;
	s17 =	simm.s32 $0x7  }
0x1e: {  	s19 =	simm.s32 $0x9;
	[dreg:$0xf] =	wrdreg s2;
	s2 =	sadd.s32 s1, s24  }
0x1f: {  	s20 =	simm.s32 $0x2;
	[dreg:$0x11] =	wrdreg s2;
	s2 =	sshll.u32 s25, $0x4  }
0x20: {  	s21 =	simm.s32 $0x4;
	s24 =	simm.s32 $0x8;
	s2 =	sadd.s32 s7, s2  }
0x21: {  	s25 =	simm.s32 $0xA;
	[dreg:$0x13] =	wrdreg s2;
	s2 =	simm.s32 $0x200  }
.LBB2_1:
0x22: {  	[dreg:$0x16] =	wrdreg s10  }
0x23: {  	s5 =	rddreg [dreg:$0x5]  }
0x24: {  	s29 =	rddreg [dreg:$0x6];
	s28 =	sshrl.u32 s5, $0x3  }
0x25: {  	[dreg:$0x17] =	wrdreg s28  }
0x26: {  	[spmem:s28], [sflag:s14] =	dma.local [hbm:s29], $0x2800  }
0x27: {  	_ =	swait.ge [sflag:s8], $0x2800  }
0x28: {  	[sflag:s8] =	ssyncset.done $0x0  }
0x29: {  	[sflag:s8] =	ssyncadd.s32 $0xFFFFD800  }
0x2a: {  	[bflag:$0x0] =	sbarrier.arrive $0xFFFF  }
0x2b: {  	s5 =	simm.s32 $0x0;
	s14 =	rddreg [dreg:$0x8]  }
0x2c: {  	[tilespmem:s5], [sflag:$0x5] =	stream.linear.gather [hbm4b:s14+s5], $0x28, $0x38;
	[tilespmem:$0x19200] =	vst v63  }
0x2d: {  	s26 =	rddreg [dreg:$0x9]  }
0x2e: {  	[tilespmem:s30], [sflag:$0x7] =	stream.linear.gather [hbm4b:s26+s5], $0x28, $0x38;
	[tilespmem:$0x19200] =	vst v63  }
0x2f: {  	_ =	swait.ge [sflag:s31], $0x28  }
0x30: {  	[sflag:s31] =	ssyncset.done $0x0  }
0x31: {  	[sflag:s31] =	ssyncadd.s32 $0xFFFFFFD8  }
0x32: {  	[tilespmem:s2], [sflag:$0x1] =	stream.indirect.gather [hbm4b:s6+s0], $0x80, s5, s0, $0xb8;
	[tilespmem:$0x19200] =	vst v63  }
0x33: {  	s29 =	simm.s32 $0x2A00;
	s28 =	rddreg [dreg:$0xa]  }
0x34: {  	[tilespmem:s29], [sflag:$0x3] =	stream.linear.gather [hbm4b:s28+s5], $0x1400, $0x38;
	[tilespmem:$0x19200] =	vst v63  }
0x35: {  	s14 =	rddreg [dreg:$0xb]  }
0x36: {  	[tilespmem:s9], [sflag:$0x6] =	stream.linear.gather [hbm4b:s14+s5], $0x28, $0x38;
	[tilespmem:$0x19200] =	vst v63  }
0x37: {  	s26 =	rddreg [dreg:$0xc]  }
0x38: {  	[tilespmem:s11], [sflag:$0x8] =	stream.linear.gather [hbm4b:s26+s5], $0x28, $0x38;
	[tilespmem:$0x19200] =	vst v63  }
0x39: {  	_ =	swait.ge [sflag:s12], $0x28  }
0x3a: {  	[sflag:s12] =	ssyncset.done $0x0  }
0x3b: {  	[sflag:s12] =	ssyncadd.s32 $0xFFFFFFD8  }
0x3c: {  	[tilespmem:s13], [sflag:$0x2] =	stream.indirect.gather [hbm4b:s6+s0], $0x80, s9, s0, $0xb8;
	[tilespmem:$0x19200] =	vst v63  }
0x3d: {  	s29 =	simm.s32 $0x3E00;
	s28 =	rddreg [dreg:$0xd]  }
0x3e: {  	[tilespmem:s29], [sflag:$0x4] =	stream.linear.gather [hbm4b:s28+s5], $0x1400, $0x38;
	[tilespmem:$0x19200] =	vst v63  }
0x3f: {  	_ =	swait.ge [sflag:s15], $0x1400  }
0x40: {  	[sflag:s15] =	ssyncset.done $0x0  }
0x41: {  	[sflag:s15] =	ssyncadd.s32 $0xFFFFEC00  }
0x42: {  	_ =	swait.ge [sflag:s16], $0x1400  }
0x43: {  	[sflag:s16] =	ssyncset.done $0x0  }
0x44: {  	[sflag:s16] =	ssyncadd.s32 $0xFFFFEC00  }
0x45: {  	_ =	swait.ge [sflag:s17], $0x28  }
0x46: {  	[sflag:s17] =	ssyncset.done $0x0  }
0x47: {  	s10 =	simm.s32 $0x0;
	[sflag:s17] =	ssyncadd.s32 $0xFFFFFFD8  }
0x48: {  	v6 =	vld [tilespmem:s10+$0x2A00]  }
0x49: {  	v11 =	vld [tilespmem:s10+$0x2A10]  }
0x4a: {  	v5 =	vld [tilespmem:s10+$0x2A20]  }
0x4b: {  	v4 =	vld [tilespmem:s10+$0x2A30]  }
0x4c: {  	v3 =	vld [tilespmem:s10+$0x2A40]  }
0x4d: {  	v2 =	vld [tilespmem:s10+$0x2A50]  }
0x4e: {  	v1 =	vld [tilespmem:s10+$0x2A60]  }
0x4f: {  	v0 =	vld [tilespmem:s10+$0x2A70]  }
0x50: {  	v12 =	vld [tilespmem:s10+$0x200]  }
0x51: {  	v13 =	vld [tilespmem:s10+$0x210]  }
0x52: {  	v10 =	vld [tilespmem:s10+$0x220]  }
0x53: {  	v9 =	vld [tilespmem:s10+$0x230]  }
0x54: {  	v8 =	vld [tilespmem:s10+$0x240]  }
0x55: {  	v7 =	vld [tilespmem:s10+$0x250];
	v12 =	vadd.f32 v6, v12  }
0x56: {  	s26 =	simm.s32 $0x200;
	v11 =	vadd.f32 v11, v13;
	v6 =	vld [tilespmem:s10+$0x260]  }
.LBB2_2:
0x57: {  	s8 =	sshra.s32 s26, $0x2;
	p0 =	sne.s32 s26, $0x4E00;
	v12 =	vmax.f32 v12, $0.0e+00;
	v5 =	vadd.f32 v5, v10;
	v10 =	vld [tilespmem:s10+$0x270]  }
0x58: {  	v13 =	vld [tilespmem:s8+$0x2A00];
	[tilespmem:s10+$0x200] =	vst v12;
	v11 =	vmax.f32 v11, $0.0e+00;
	v4 =	vadd.f32 v4, v9  }
0x59: {  	v14 =	vld [tilespmem:s8+$0x2A10];
	[tilespmem:s10+$0x210] =	vst v11;
	v9 =	vmax.f32 v5, $0.0e+00;
	v3 =	vadd.f32 v3, v8  }
0x5a: {  	v5 =	vld [tilespmem:s8+$0x2A20];
	[tilespmem:s10+$0x220] =	vst v9;
	v8 =	vmax.f32 v4, $0.0e+00;
	v2 =	vadd.f32 v2, v7  }
0x5b: {  	v4 =	vld [tilespmem:s8+$0x2A30];
	[tilespmem:s10+$0x230] =	vst v8;
	v7 =	vmax.f32 v3, $0.0e+00;
	v1 =	vadd.f32 v1, v6  }
0x5c: {  	v3 =	vld [tilespmem:s8+$0x2A40];
	[tilespmem:s10+$0x240] =	vst v7;
	v6 =	vmax.f32 v2, $0.0e+00;
	v0 =	vadd.f32 v0, v10  }
0x5d: {  	v2 =	vld [tilespmem:s8+$0x2A50];
	[tilespmem:s10+$0x250] =	vst v6;
	v6 =	vmax.f32 v1, $0.0e+00  }
0x5e: {  	v1 =	vld [tilespmem:s8+$0x2A60];
	[tilespmem:s10+$0x260] =	vst v6;
	v6 =	vmax.f32 v0, $0.0e+00  }
0x5f: {  	v0 =	vld [tilespmem:s8+$0x2A70];
	[tilespmem:s10+$0x270] =	vst v6;
	s10 =	smov.u32 s8  }
0x60: {  	v6 =	vld [tilespmem:s10+$0x200]  }
0x61: {  	v11 =	vld [tilespmem:s10+$0x210]  }
.Ltmp0:
0x62: {  	v10 =	vld [tilespmem:s10+$0x220];
	(pc) =	sbr.rel @p0 .LBB2_2-.Ltmp0, $4  }
0x63: {  	v9 =	vld [tilespmem:s10+$0x230]  }
0x64: {  	v8 =	vld [tilespmem:s10+$0x240]  }
0x65: {  	v12 =	vadd.f32 v13, v6;
	v7 =	vld [tilespmem:s10+$0x250]  }
0x66: {  	s26 =	sadd.s32 $0x200, s26;
	v11 =	vadd.f32 v14, v11;
	v6 =	vld [tilespmem:s10+$0x260]  }
0x67: {  	v12 =	vmax.f32 v12, $0.0e+00;
	v5 =	vadd.f32 v5, v10;
	v10 =	vld [tilespmem:s10+$0x270]  }
0x68: {  	[tilespmem:s10+$0x200] =	vst v12;
	v11 =	vmax.f32 v11, $0.0e+00;
	v4 =	vadd.f32 v4, v9  }
0x69: {  	[tilespmem:s10+$0x210] =	vst v11;
	v5 =	vmax.f32 v5, $0.0e+00;
	v3 =	vadd.f32 v3, v8  }
0x6a: {  	[tilespmem:s10+$0x220] =	vst v5;
	v4 =	vmax.f32 v4, $0.0e+00;
	v2 =	vadd.f32 v2, v7  }
0x6b: {  	[tilespmem:s10+$0x230] =	vst v4;
	v3 =	vmax.f32 v3, $0.0e+00;
	v1 =	vadd.f32 v1, v6  }
0x6c: {  	[tilespmem:s10+$0x240] =	vst v3;
	v2 =	vmax.f32 v2, $0.0e+00;
	v0 =	vadd.f32 v0, v10  }
0x6d: {  	[tilespmem:s10+$0x250] =	vst v2;
	v1 =	vmax.f32 v1, $0.0e+00  }
0x6e: {  	[tilespmem:s10+$0x260] =	vst v1;
	v0 =	vmax.f32 v0, $0.0e+00  }
0x6f: {  	[tilespmem:s10+$0x270] =	vst v0  }
0x70: {  	[spmem:s4] =	stream.indirect.scatter.add.f32 [tilespmem:s2], [sflag:$0x9], $0x80, s30, s0, $0xb8;
	[tilespmem:$0x19200] =	vst v63  }
0x71: {  	s8 =	simm.s32 $0x0;
	s5 =	rddreg [dreg:$0xe]  }
0x72: {  	[tilespmem:s8], [sflag:$0x5] =	stream.linear.gather [hbm4b:s5+s8], $0x28, $0x38;
	[tilespmem:$0x19200] =	vst v63  }
0x73: {  	_ =	swait.ge [sflag:s31], $0x28  }
0x74: {  	[sflag:s31] =	ssyncset.done $0x0  }
0x75: {  	[sflag:s31] =	ssyncadd.s32 $0xFFFFFFD8  }
0x76: {  	_ =	swait.ge [sflag:s19], $0x1400  }
0x77: {  	[sflag:s19] =	ssyncset.done $0x0  }
0x78: {  	s26 =	rddreg [dreg:$0xf];
	[sflag:s19] =	ssyncadd.s32 $0xFFFFEC00  }
0x79: {  	[tilespmem:s30], [sflag:$0x7] =	stream.linear.gather [hbm4b:s26+s8], $0x28, $0x38;
	[tilespmem:$0x19200] =	vst v63  }
0x7a: {  	_ = 	snop  }
0x7b: {  	[tilespmem:s2], [sflag:$0x1] =	stream.indirect.gather [hbm4b:s6+s0], $0x80, s8, s0, $0xb8;
	[tilespmem:$0x19200] =	vst v63  }
0x7c: {  	s29 =	simm.s32 $0x2A00;
	s28 =	rddreg [dreg:$0x10]  }
0x7d: {  	[tilespmem:s29], [sflag:$0x3] =	stream.linear.gather [hbm4b:s28+s8], $0x1400, $0x38;
	[tilespmem:$0x19200] =	vst v63  }
0x7e: {  	_ =	swait.ge [sflag:s20], $0x1400  }
0x7f: {  	[sflag:s20] =	ssyncset.done $0x0  }
0x80: {  	[sflag:s20] =	ssyncadd.s32 $0xFFFFEC00  }
0x81: {  	_ =	swait.ge [sflag:s21], $0x1400  }
0x82: {  	[sflag:s21] =	ssyncset.done $0x0  }
0x83: {  	[sflag:s21] =	ssyncadd.s32 $0xFFFFEC00  }
0x84: {  	_ =	swait.ge [sflag:s24], $0x28  }
0x85: {  	[sflag:s24] =	ssyncset.done $0x0  }
0x86: {  	s10 =	simm.s32 $0x0;
	[sflag:s24] =	ssyncadd.s32 $0xFFFFFFD8  }
0x87: {  	v6 =	vld [tilespmem:s10+$0x3E00]  }
0x88: {  	v11 =	vld [tilespmem:s10+$0x3E10]  }
0x89: {  	v5 =	vld [tilespmem:s10+$0x3E20]  }
0x8a: {  	v4 =	vld [tilespmem:s10+$0x3E30]  }
0x8b: {  	v3 =	vld [tilespmem:s10+$0x3E40]  }
0x8c: {  	v2 =	vld [tilespmem:s10+$0x3E50]  }
0x8d: {  	v1 =	vld [tilespmem:s10+$0x3E60]  }
0x8e: {  	v0 =	vld [tilespmem:s10+$0x3E70]  }
0x8f: {  	v12 =	vld [tilespmem:s10+$0x1600]  }
0x90: {  	v13 =	vld [tilespmem:s10+$0x1610]  }
0x91: {  	v10 =	vld [tilespmem:s10+$0x1620]  }
0x92: {  	v9 =	vld [tilespmem:s10+$0x1630]  }
0x93: {  	v8 =	vld [tilespmem:s10+$0x1640]  }
0x94: {  	v7 =	vld [tilespmem:s10+$0x1650];
	v12 =	vadd.f32 v6, v12  }
0x95: {  	s26 =	simm.s32 $0x200;
	v11 =	vadd.f32 v11, v13;
	v6 =	vld [tilespmem:s10+$0x1660]  }
.LBB2_4:
0x96: {  	s8 =	sshra.s32 s26, $0x2;
	p0 =	sne.s32 s26, $0x4E00;
	v12 =	vmax.f32 v12, $0.0e+00;
	v5 =	vadd.f32 v5, v10;
	v10 =	vld [tilespmem:s10+$0x1670]  }
0x97: {  	v13 =	vld [tilespmem:s8+$0x3E00];
	[tilespmem:s10+$0x1600] =	vst v12;
	v11 =	vmax.f32 v11, $0.0e+00;
	v4 =	vadd.f32 v4, v9  }
0x98: {  	v14 =	vld [tilespmem:s8+$0x3E10];
	[tilespmem:s10+$0x1610] =	vst v11;
	v9 =	vmax.f32 v5, $0.0e+00;
	v3 =	vadd.f32 v3, v8  }
0x99: {  	v5 =	vld [tilespmem:s8+$0x3E20];
	[tilespmem:s10+$0x1620] =	vst v9;
	v8 =	vmax.f32 v4, $0.0e+00;
	v2 =	vadd.f32 v2, v7  }
0x9a: {  	v4 =	vld [tilespmem:s8+$0x3E30];
	[tilespmem:s10+$0x1630] =	vst v8;
	v7 =	vmax.f32 v3, $0.0e+00;
	v1 =	vadd.f32 v1, v6  }
0x9b: {  	v3 =	vld [tilespmem:s8+$0x3E40];
	[tilespmem:s10+$0x1640] =	vst v7;
	v6 =	vmax.f32 v2, $0.0e+00;
	v0 =	vadd.f32 v0, v10  }
0x9c: {  	v2 =	vld [tilespmem:s8+$0x3E50];
	[tilespmem:s10+$0x1650] =	vst v6;
	v6 =	vmax.f32 v1, $0.0e+00  }
0x9d: {  	v1 =	vld [tilespmem:s8+$0x3E60];
	[tilespmem:s10+$0x1660] =	vst v6;
	v6 =	vmax.f32 v0, $0.0e+00  }
0x9e: {  	v0 =	vld [tilespmem:s8+$0x3E70];
	[tilespmem:s10+$0x1670] =	vst v6;
	s10 =	smov.u32 s8  }
0x9f: {  	v6 =	vld [tilespmem:s10+$0x1600]  }
0xa0: {  	v11 =	vld [tilespmem:s10+$0x1610]  }
.Ltmp1:
0xa1: {  	v10 =	vld [tilespmem:s10+$0x1620];
	(pc) =	sbr.rel @p0 .LBB2_4-.Ltmp1, $4  }
0xa2: {  	v9 =	vld [tilespmem:s10+$0x1630]  }
0xa3: {  	v8 =	vld [tilespmem:s10+$0x1640]  }
0xa4: {  	v12 =	vadd.f32 v13, v6;
	v7 =	vld [tilespmem:s10+$0x1650]  }
0xa5: {  	s26 =	sadd.s32 $0x200, s26;
	v11 =	vadd.f32 v14, v11;
	v6 =	vld [tilespmem:s10+$0x1660]  }
0xa6: {  	v12 =	vmax.f32 v12, $0.0e+00;
	v5 =	vadd.f32 v5, v10;
	v63 =	vld [tilespmem:s10+$0x1670]  }
0xa7: {  	[tilespmem:s10+$0x1600] =	vst v12;
	v11 =	vmax.f32 v11, $0.0e+00;
	v4 =	vadd.f32 v4, v9  }
0xa8: {  	[tilespmem:s10+$0x1610] =	vst v11;
	v5 =	vmax.f32 v5, $0.0e+00;
	v3 =	vadd.f32 v3, v8  }
0xa9: {  	[tilespmem:s10+$0x1620] =	vst v5;
	v4 =	vmax.f32 v4, $0.0e+00;
	v2 =	vadd.f32 v2, v7  }
0xaa: {  	[tilespmem:s10+$0x1630] =	vst v4;
	v3 =	vmax.f32 v3, $0.0e+00;
	v1 =	vadd.f32 v1, v6  }
0xab: {  	[tilespmem:s10+$0x1640] =	vst v3;
	v2 =	vmax.f32 v2, $0.0e+00;
	v0 =	vadd.f32 v0, v63  }
0xac: {  	[tilespmem:s10+$0x1650] =	vst v2;
	v1 =	vmax.f32 v1, $0.0e+00  }
0xad: {  	[tilespmem:s10+$0x1660] =	vst v1;
	v0 =	vmax.f32 v0, $0.0e+00  }
0xae: {  	[tilespmem:s10+$0x1670] =	vst v0  }
0xaf: {  	[spmem:s4] =	stream.indirect.scatter.add.f32 [tilespmem:s13], [sflag:$0xA], $0x80, s11, s0, $0xb8;
	[tilespmem:$0x19200] =	vst v63  }
0xb0: {  	s5 =	rddreg [dreg:$0x11];
	s29 =	simm.s32 $0x0;
	s10 =	simm.s32 $0x0  }
0xb1: {  	[tilespmem:s9], [sflag:$0x6] =	stream.linear.gather [hbm4b:s5+s10], $0x28, $0x38;
	[tilespmem:$0x19200] =	vst v63  }
.LBB2_6:
0xb2: {  	_ =	swait.ge [sflag:s12], $0x28  }
0xb3: {  	s28 =	smul.u32 $0x50, s29;
	[sflag:s12] =	ssyncset.done $0x0  }
0xb4: {  	[sflag:s12] =	ssyncadd.s32 $0xFFFFFFD8  }
0xb5: {  	s8 =	sadd.s32 s28, s18;
	_ =	swait.ge [sflag:s25], $0x1400  }
0xb6: {  	s26 =	sshrl.u32 s8, $0x3;
	[sflag:s25] =	ssyncset.done $0x0  }
0xb7: {  	s26 =	sadd.s32 s3, s26;
	[sflag:s25] =	ssyncadd.s32 $0xFFFFEC00  }
0xb8: {  	[tilespmem:s11], [sflag:$0x8] =	stream.linear.gather [hbm4b:s26+s10], $0x28, $0x38;
	[tilespmem:$0x19200] =	vst v63  }
0xb9: {  	s8 =	sshll.u32 s8, $0x4  }
0xba: {  	[tilespmem:s13], [sflag:$0x2] =	stream.indirect.gather [hbm4b:s6+s0], $0x80, s9, s0, $0xb8;
	[tilespmem:$0x19200] =	vst v63  }
0xbb: {  	s5 =	simm.s32 $0x3E00;
	s8 =	sadd.s32 s7, s8  }
0xbc: {  	[tilespmem:s5], [sflag:$0x4] =	stream.linear.gather [hbm4b:s8+s10], $0x1400, $0x38;
	[tilespmem:$0x19200] =	vst v63  }
0xbd: {  	_ =	swait.ge [sflag:s15], $0x1400  }
0xbe: {  	[sflag:s15] =	ssyncset.done $0x0  }
0xbf: {  	[sflag:s15] =	ssyncadd.s32 $0xFFFFEC00  }
0xc0: {  	_ =	swait.ge [sflag:s16], $0x1400  }
0xc1: {  	[sflag:s16] =	ssyncset.done $0x0  }
0xc2: {  	[sflag:s16] =	ssyncadd.s32 $0xFFFFEC00  }
0xc3: {  	_ =	swait.ge [sflag:s17], $0x28  }
0xc4: {  	[sflag:s17] =	ssyncset.done $0x0  }
0xc5: {  	s26 =	simm.s32 $0x0;
	[sflag:s17] =	ssyncadd.s32 $0xFFFFFFD8  }
0xc6: {  	v6 =	vld [tilespmem:s26+$0x2A00]  }
0xc7: {  	v11 =	vld [tilespmem:s26+$0x2A10]  }
0xc8: {  	v5 =	vld [tilespmem:s26+$0x2A20]  }
0xc9: {  	v4 =	vld [tilespmem:s26+$0x2A30]  }
0xca: {  	v3 =	vld [tilespmem:s26+$0x2A40]  }
0xcb: {  	v2 =	vld [tilespmem:s26+$0x2A50]  }
0xcc: {  	v1 =	vld [tilespmem:s26+$0x2A60]  }
0xcd: {  	v0 =	vld [tilespmem:s26+$0x2A70]  }
0xce: {  	v12 =	vld [tilespmem:s26+$0x200]  }
0xcf: {  	v13 =	vld [tilespmem:s26+$0x210]  }
0xd0: {  	v10 =	vld [tilespmem:s26+$0x220]  }
0xd1: {  	v9 =	vld [tilespmem:s26+$0x230]  }
0xd2: {  	v8 =	vld [tilespmem:s26+$0x240]  }
0xd3: {  	v7 =	vld [tilespmem:s26+$0x250];
	v12 =	vadd.f32 v6, v12  }
0xd4: {  	s8 =	simm.s32 $0x200;
	v11 =	vadd.f32 v11, v13;
	v6 =	vld [tilespmem:s26+$0x260]  }
.LBB2_7:
0xd5: {  	s14 =	sshra.s32 s8, $0x2;
	p0 =	sne.s32 s8, $0x4E00;
	v12 =	vmax.f32 v12, $0.0e+00;
	v5 =	vadd.f32 v5, v10;
	v10 =	vld [tilespmem:s26+$0x270]  }
0xd6: {  	v13 =	vld [tilespmem:s14+$0x2A00];
	[tilespmem:s26+$0x200] =	vst v12;
	v11 =	vmax.f32 v11, $0.0e+00;
	v4 =	vadd.f32 v4, v9  }
0xd7: {  	v14 =	vld [tilespmem:s14+$0x2A10];
	[tilespmem:s26+$0x210] =	vst v11;
	v9 =	vmax.f32 v5, $0.0e+00;
	v3 =	vadd.f32 v3, v8  }
0xd8: {  	v5 =	vld [tilespmem:s14+$0x2A20];
	[tilespmem:s26+$0x220] =	vst v9;
	v8 =	vmax.f32 v4, $0.0e+00;
	v2 =	vadd.f32 v2, v7  }
0xd9: {  	v4 =	vld [tilespmem:s14+$0x2A30];
	[tilespmem:s26+$0x230] =	vst v8;
	v7 =	vmax.f32 v3, $0.0e+00;
	v1 =	vadd.f32 v1, v6  }
0xda: {  	v3 =	vld [tilespmem:s14+$0x2A40];
	[tilespmem:s26+$0x240] =	vst v7;
	v6 =	vmax.f32 v2, $0.0e+00;
	v0 =	vadd.f32 v0, v10  }
0xdb: {  	v2 =	vld [tilespmem:s14+$0x2A50];
	[tilespmem:s26+$0x250] =	vst v6;
	v6 =	vmax.f32 v1, $0.0e+00  }
0xdc: {  	v1 =	vld [tilespmem:s14+$0x2A60];
	[tilespmem:s26+$0x260] =	vst v6;
	v6 =	vmax.f32 v0, $0.0e+00  }
0xdd: {  	v0 =	vld [tilespmem:s14+$0x2A70];
	[tilespmem:s26+$0x270] =	vst v6;
	s26 =	smov.u32 s14  }
0xde: {  	v6 =	vld [tilespmem:s26+$0x200]  }
0xdf: {  	v11 =	vld [tilespmem:s26+$0x210]  }
.Ltmp2:
0xe0: {  	v10 =	vld [tilespmem:s26+$0x220];
	(pc) =	sbr.rel @p0 .LBB2_7-.Ltmp2, $4  }
0xe1: {  	v9 =	vld [tilespmem:s26+$0x230]  }
0xe2: {  	v8 =	vld [tilespmem:s26+$0x240]  }
0xe3: {  	v12 =	vadd.f32 v13, v6;
	v7 =	vld [tilespmem:s26+$0x250]  }
0xe4: {  	s8 =	sadd.s32 $0x200, s8;
	v11 =	vadd.f32 v14, v11;
	v6 =	vld [tilespmem:s26+$0x260]  }
0xe5: {  	v12 =	vmax.f32 v12, $0.0e+00;
	v5 =	vadd.f32 v5, v10;
	v10 =	vld [tilespmem:s26+$0x270]  }
0xe6: {  	[tilespmem:s26+$0x200] =	vst v12;
	v11 =	vmax.f32 v11, $0.0e+00;
	v4 =	vadd.f32 v4, v9  }
0xe7: {  	[tilespmem:s26+$0x210] =	vst v11;
	v5 =	vmax.f32 v5, $0.0e+00;
	v3 =	vadd.f32 v3, v8  }
0xe8: {  	[tilespmem:s26+$0x220] =	vst v5;
	v4 =	vmax.f32 v4, $0.0e+00;
	v2 =	vadd.f32 v2, v7  }
0xe9: {  	[tilespmem:s26+$0x230] =	vst v4;
	v3 =	vmax.f32 v3, $0.0e+00;
	v1 =	vadd.f32 v1, v6  }
0xea: {  	[tilespmem:s26+$0x240] =	vst v3;
	v2 =	vmax.f32 v2, $0.0e+00;
	v0 =	vadd.f32 v0, v10  }
0xeb: {  	[tilespmem:s26+$0x250] =	vst v2;
	v1 =	vmax.f32 v1, $0.0e+00  }
0xec: {  	s8 =	sadd.s32 s28, s22;
	[tilespmem:s26+$0x260] =	vst v1;
	v0 =	vmax.f32 v0, $0.0e+00  }
0xed: {  	s14 =	sshrl.u32 s8, $0x3;
	[tilespmem:s26+$0x270] =	vst v0  }
0xee: {  	[spmem:s4] =	stream.indirect.scatter.add.f32 [tilespmem:s2], [sflag:$0x9], $0x80, s30, s0, $0xb8;
	[tilespmem:$0x19200] =	vst v63  }
0xef: {  	s5 =	simm.s32 $0x0;
	s26 =	sadd.s32 s1, s14  }
0xf0: {  	[tilespmem:s5], [sflag:$0x5] =	stream.linear.gather [hbm4b:s26+s5], $0x28, $0x38;
	[tilespmem:$0x19200] =	vst v63  }
0xf1: {  	_ =	swait.ge [sflag:s31], $0x28  }
0xf2: {  	[sflag:s31] =	ssyncset.done $0x0  }
0xf3: {  	[sflag:s31] =	ssyncadd.s32 $0xFFFFFFD8  }
0xf4: {  	_ =	swait.ge [sflag:s19], $0x1400  }
0xf5: {  	[sflag:s19] =	ssyncset.done $0x0  }
0xf6: {  	s14 =	sadd.s32 s3, s14;
	[sflag:s19] =	ssyncadd.s32 $0xFFFFEC00  }
0xf7: {  	[tilespmem:s30], [sflag:$0x7] =	stream.linear.gather [hbm4b:s14+s5], $0x28, $0x38;
	[tilespmem:$0x19200] =	vst v63  }
0xf8: {  	s8 =	sshll.u32 s8, $0x4  }
0xf9: {  	[tilespmem:s2], [sflag:$0x1] =	stream.indirect.gather [hbm4b:s6+s0], $0x80, s5, s0, $0xb8;
	[tilespmem:$0x19200] =	vst v63  }
0xfa: {  	s8 =	sadd.s32 s7, s8;
	s26 =	simm.s32 $0x2A00  }
0xfb: {  	[tilespmem:s26], [sflag:$0x3] =	stream.linear.gather [hbm4b:s8+s5], $0x1400, $0x38;
	[tilespmem:$0x19200] =	vst v63  }
0xfc: {  	_ =	swait.ge [sflag:s20], $0x1400  }
0xfd: {  	[sflag:s20] =	ssyncset.done $0x0  }
0xfe: {  	[sflag:s20] =	ssyncadd.s32 $0xFFFFEC00  }
0xff: {  	_ =	swait.ge [sflag:s21], $0x1400  }
0x100: {  	[sflag:s21] =	ssyncset.done $0x0  }
0x101: {  	[sflag:s21] =	ssyncadd.s32 $0xFFFFEC00  }
0x102: {  	_ =	swait.ge [sflag:s24], $0x28  }
0x103: {  	[sflag:s24] =	ssyncset.done $0x0  }
0x104: {  	s26 =	simm.s32 $0x0;
	[sflag:s24] =	ssyncadd.s32 $0xFFFFFFD8  }
0x105: {  	v6 =	vld [tilespmem:s26+$0x3E00]  }
0x106: {  	v11 =	vld [tilespmem:s26+$0x3E10]  }
0x107: {  	v5 =	vld [tilespmem:s26+$0x3E20]  }
0x108: {  	v4 =	vld [tilespmem:s26+$0x3E30]  }
0x109: {  	v3 =	vld [tilespmem:s26+$0x3E40]  }
0x10a: {  	v2 =	vld [tilespmem:s26+$0x3E50]  }
0x10b: {  	v1 =	vld [tilespmem:s26+$0x3E60]  }
0x10c: {  	v0 =	vld [tilespmem:s26+$0x3E70]  }
0x10d: {  	v12 =	vld [tilespmem:s26+$0x1600]  }
0x10e: {  	v13 =	vld [tilespmem:s26+$0x1610]  }
0x10f: {  	v10 =	vld [tilespmem:s26+$0x1620]  }
0x110: {  	v9 =	vld [tilespmem:s26+$0x1630]  }
0x111: {  	v8 =	vld [tilespmem:s26+$0x1640]  }
0x112: {  	v7 =	vld [tilespmem:s26+$0x1650];
	v12 =	vadd.f32 v6, v12  }
0x113: {  	s8 =	simm.s32 $0x200;
	v11 =	vadd.f32 v11, v13;
	v6 =	vld [tilespmem:s26+$0x1660]  }
.LBB2_9:
0x114: {  	s5 =	sshra.s32 s8, $0x2;
	p0 =	sne.s32 s8, $0x4E00;
	v12 =	vmax.f32 v12, $0.0e+00;
	v5 =	vadd.f32 v5, v10;
	v10 =	vld [tilespmem:s26+$0x1670]  }
0x115: {  	v13 =	vld [tilespmem:s5+$0x3E00];
	[tilespmem:s26+$0x1600] =	vst v12;
	v11 =	vmax.f32 v11, $0.0e+00;
	v4 =	vadd.f32 v4, v9  }
0x116: {  	v14 =	vld [tilespmem:s5+$0x3E10];
	[tilespmem:s26+$0x1610] =	vst v11;
	v9 =	vmax.f32 v5, $0.0e+00;
	v3 =	vadd.f32 v3, v8  }
0x117: {  	v5 =	vld [tilespmem:s5+$0x3E20];
	[tilespmem:s26+$0x1620] =	vst v9;
	v8 =	vmax.f32 v4, $0.0e+00;
	v2 =	vadd.f32 v2, v7  }
0x118: {  	v4 =	vld [tilespmem:s5+$0x3E30];
	[tilespmem:s26+$0x1630] =	vst v8;
	v7 =	vmax.f32 v3, $0.0e+00;
	v1 =	vadd.f32 v1, v6  }
0x119: {  	v3 =	vld [tilespmem:s5+$0x3E40];
	[tilespmem:s26+$0x1640] =	vst v7;
	v6 =	vmax.f32 v2, $0.0e+00;
	v0 =	vadd.f32 v0, v10  }
0x11a: {  	v2 =	vld [tilespmem:s5+$0x3E50];
	[tilespmem:s26+$0x1650] =	vst v6;
	v6 =	vmax.f32 v1, $0.0e+00  }
0x11b: {  	v1 =	vld [tilespmem:s5+$0x3E60];
	[tilespmem:s26+$0x1660] =	vst v6;
	v6 =	vmax.f32 v0, $0.0e+00  }
0x11c: {  	v0 =	vld [tilespmem:s5+$0x3E70];
	[tilespmem:s26+$0x1670] =	vst v6;
	s26 =	smov.u32 s5  }
0x11d: {  	v6 =	vld [tilespmem:s26+$0x1600]  }
0x11e: {  	v11 =	vld [tilespmem:s26+$0x1610]  }
.Ltmp3:
0x11f: {  	v10 =	vld [tilespmem:s26+$0x1620];
	(pc) =	sbr.rel @p0 .LBB2_9-.Ltmp3, $4  }
0x120: {  	v9 =	vld [tilespmem:s26+$0x1630]  }
0x121: {  	v8 =	vld [tilespmem:s26+$0x1640]  }
0x122: {  	v12 =	vadd.f32 v13, v6;
	v7 =	vld [tilespmem:s26+$0x1650]  }
0x123: {  	s8 =	sadd.s32 $0x200, s8;
	v11 =	vadd.f32 v14, v11;
	v6 =	vld [tilespmem:s26+$0x1660]  }
0x124: {  	v12 =	vmax.f32 v12, $0.0e+00;
	v5 =	vadd.f32 v5, v10;
	v63 =	vld [tilespmem:s26+$0x1670]  }
0x125: {  	[tilespmem:s26+$0x1600] =	vst v12;
	v11 =	vmax.f32 v11, $0.0e+00;
	v4 =	vadd.f32 v4, v9  }
0x126: {  	[tilespmem:s26+$0x1610] =	vst v11;
	v5 =	vmax.f32 v5, $0.0e+00;
	v3 =	vadd.f32 v3, v8  }
0x127: {  	[tilespmem:s26+$0x1620] =	vst v5;
	v4 =	vmax.f32 v4, $0.0e+00;
	v2 =	vadd.f32 v2, v7  }
0x128: {  	[tilespmem:s26+$0x1630] =	vst v4;
	v3 =	vmax.f32 v3, $0.0e+00;
	v1 =	vadd.f32 v1, v6  }
0x129: {  	s29 =	sadd.s32 $0x1, s29;
	[tilespmem:s26+$0x1640] =	vst v3;
	v2 =	vmax.f32 v2, $0.0e+00;
	v0 =	vadd.f32 v0, v63  }
0x12a: {  	p0 =	sne.s32 s29, $0x7B;
	[tilespmem:s26+$0x1650] =	vst v2;
	v1 =	vmax.f32 v1, $0.0e+00  }
.Ltmp4:
0x12b: {  	s5 =	sadd.s32 s28, s23;
	[tilespmem:s26+$0x1660] =	vst v1;
	v0 =	vmax.f32 v0, $0.0e+00;
	(pc) =	sbr.rel @p0 .LBB2_6-.Ltmp4, $4  }
0x12c: {  	s5 =	sshrl.u32 s5, $0x3;
	[tilespmem:s26+$0x1670] =	vst v0  }
0x12d: {  	[spmem:s4] =	stream.indirect.scatter.add.f32 [tilespmem:s13], [sflag:$0xA], $0x80, s11, s0, $0xb8;
	[tilespmem:$0x19200] =	vst v63  }
0x12e: {  	s8 =	simm.s32 $0x0;
	s5 =	sadd.s32 s1, s5  }
0x12f: {  	[tilespmem:s9], [sflag:$0x6] =	stream.linear.gather [hbm4b:s5+s8], $0x28, $0x38;
	[tilespmem:$0x19200] =	vst v63  }
0x130: {  	_ =	swait.ge [sflag:s12], $0x28  }
0x131: {  	[sflag:s12] =	ssyncset.done $0x0  }
0x132: {  	[sflag:s12] =	ssyncadd.s32 $0xFFFFFFD8  }
0x133: {  	_ =	swait.ge [sflag:s25], $0x1400  }
0x134: {  	[sflag:s25] =	ssyncset.done $0x0  }
0x135: {  	s5 =	simm.s32 $0x0;
	s8 =	rddreg [dreg:$0x12];
	[sflag:s25] =	ssyncadd.s32 $0xFFFFEC00  }
0x136: {  	[tilespmem:s11], [sflag:$0x8] =	stream.linear.gather [hbm4b:s8+s5], $0x28, $0x38;
	[tilespmem:$0x19200] =	vst v63  }
0x137: {  	_ = 	snop  }
0x138: {  	[tilespmem:s13], [sflag:$0x2] =	stream.indirect.gather [hbm4b:s6+s0], $0x80, s9, s0, $0xb8;
	[tilespmem:$0x19200] =	vst v63  }
0x139: {  	s10 =	simm.s32 $0x3E00;
	s29 =	rddreg [dreg:$0x13]  }
0x13a: {  	[tilespmem:s10], [sflag:$0x4] =	stream.linear.gather [hbm4b:s29+s5], $0x1400, $0x38;
	[tilespmem:$0x19200] =	vst v63  }
0x13b: {  	_ =	swait.ge [sflag:s15], $0x1400  }
0x13c: {  	[sflag:s15] =	ssyncset.done $0x0  }
0x13d: {  	[sflag:s15] =	ssyncadd.s32 $0xFFFFEC00  }
0x13e: {  	_ =	swait.ge [sflag:s16], $0x1400  }
0x13f: {  	[sflag:s16] =	ssyncset.done $0x0  }
0x140: {  	[sflag:s16] =	ssyncadd.s32 $0xFFFFEC00  }
0x141: {  	_ =	swait.ge [sflag:s17], $0x28  }
0x142: {  	[sflag:s17] =	ssyncset.done $0x0  }
0x143: {  	s10 =	simm.s32 $0x0;
	[sflag:s17] =	ssyncadd.s32 $0xFFFFFFD8  }
0x144: {  	v6 =	vld [tilespmem:s10+$0x2A00]  }
0x145: {  	v11 =	vld [tilespmem:s10+$0x2A10]  }
0x146: {  	v5 =	vld [tilespmem:s10+$0x2A20]  }
0x147: {  	v4 =	vld [tilespmem:s10+$0x2A30]  }
0x148: {  	v3 =	vld [tilespmem:s10+$0x2A40]  }
0x149: {  	v2 =	vld [tilespmem:s10+$0x2A50]  }
0x14a: {  	v1 =	vld [tilespmem:s10+$0x2A60]  }
0x14b: {  	v0 =	vld [tilespmem:s10+$0x2A70]  }
0x14c: {  	v12 =	vld [tilespmem:s10+$0x200]  }
0x14d: {  	v13 =	vld [tilespmem:s10+$0x210]  }
0x14e: {  	v10 =	vld [tilespmem:s10+$0x220]  }
0x14f: {  	v9 =	vld [tilespmem:s10+$0x230]  }
0x150: {  	v8 =	vld [tilespmem:s10+$0x240]  }
0x151: {  	v7 =	vld [tilespmem:s10+$0x250];
	v12 =	vadd.f32 v6, v12  }
0x152: {  	s8 =	simm.s32 $0x200;
	v11 =	vadd.f32 v11, v13;
	v6 =	vld [tilespmem:s10+$0x260]  }
.LBB2_12:
0x153: {  	s5 =	sshra.s32 s8, $0x2;
	p0 =	sne.s32 s8, $0x4E00;
	v12 =	vmax.f32 v12, $0.0e+00;
	v5 =	vadd.f32 v5, v10;
	v10 =	vld [tilespmem:s10+$0x270]  }
0x154: {  	v13 =	vld [tilespmem:s5+$0x2A00];
	[tilespmem:s10+$0x200] =	vst v12;
	v11 =	vmax.f32 v11, $0.0e+00;
	v4 =	vadd.f32 v4, v9  }
0x155: {  	v14 =	vld [tilespmem:s5+$0x2A10];
	[tilespmem:s10+$0x210] =	vst v11;
	v9 =	vmax.f32 v5, $0.0e+00;
	v3 =	vadd.f32 v3, v8  }
0x156: {  	v5 =	vld [tilespmem:s5+$0x2A20];
	[tilespmem:s10+$0x220] =	vst v9;
	v8 =	vmax.f32 v4, $0.0e+00;
	v2 =	vadd.f32 v2, v7  }
0x157: {  	v4 =	vld [tilespmem:s5+$0x2A30];
	[tilespmem:s10+$0x230] =	vst v8;
	v7 =	vmax.f32 v3, $0.0e+00;
	v1 =	vadd.f32 v1, v6  }
0x158: {  	v3 =	vld [tilespmem:s5+$0x2A40];
	[tilespmem:s10+$0x240] =	vst v7;
	v6 =	vmax.f32 v2, $0.0e+00;
	v0 =	vadd.f32 v0, v10  }
0x159: {  	v2 =	vld [tilespmem:s5+$0x2A50];
	[tilespmem:s10+$0x250] =	vst v6;
	v6 =	vmax.f32 v1, $0.0e+00  }
0x15a: {  	v1 =	vld [tilespmem:s5+$0x2A60];
	[tilespmem:s10+$0x260] =	vst v6;
	v6 =	vmax.f32 v0, $0.0e+00  }
0x15b: {  	v0 =	vld [tilespmem:s5+$0x2A70];
	[tilespmem:s10+$0x270] =	vst v6;
	s10 =	smov.u32 s5  }
0x15c: {  	v6 =	vld [tilespmem:s10+$0x200]  }
0x15d: {  	v11 =	vld [tilespmem:s10+$0x210]  }
.Ltmp5:
0x15e: {  	v10 =	vld [tilespmem:s10+$0x220];
	(pc) =	sbr.rel @p0 .LBB2_12-.Ltmp5, $4  }
0x15f: {  	v9 =	vld [tilespmem:s10+$0x230]  }
0x160: {  	v8 =	vld [tilespmem:s10+$0x240]  }
0x161: {  	v12 =	vadd.f32 v13, v6;
	v7 =	vld [tilespmem:s10+$0x250]  }
0x162: {  	s8 =	sadd.s32 $0x200, s8;
	v11 =	vadd.f32 v14, v11;
	v6 =	vld [tilespmem:s10+$0x260]  }
0x163: {  	v12 =	vmax.f32 v12, $0.0e+00;
	v5 =	vadd.f32 v5, v10;
	v10 =	vld [tilespmem:s10+$0x270]  }
0x164: {  	[tilespmem:s10+$0x200] =	vst v12;
	v11 =	vmax.f32 v11, $0.0e+00;
	v4 =	vadd.f32 v4, v9  }
0x165: {  	[tilespmem:s10+$0x210] =	vst v11;
	v5 =	vmax.f32 v5, $0.0e+00;
	v3 =	vadd.f32 v3, v8  }
0x166: {  	[tilespmem:s10+$0x220] =	vst v5;
	v4 =	vmax.f32 v4, $0.0e+00;
	v2 =	vadd.f32 v2, v7  }
0x167: {  	[tilespmem:s10+$0x230] =	vst v4;
	v3 =	vmax.f32 v3, $0.0e+00;
	v1 =	vadd.f32 v1, v6  }
0x168: {  	[tilespmem:s10+$0x240] =	vst v3;
	v2 =	vmax.f32 v2, $0.0e+00;
	v0 =	vadd.f32 v0, v10  }
0x169: {  	[tilespmem:s10+$0x250] =	vst v2;
	v1 =	vmax.f32 v1, $0.0e+00  }
0x16a: {  	[tilespmem:s10+$0x260] =	vst v1;
	v0 =	vmax.f32 v0, $0.0e+00  }
0x16b: {  	[tilespmem:s10+$0x270] =	vst v0  }
0x16c: {  	[spmem:s4] =	stream.indirect.scatter.add.f32 [tilespmem:s2], [sflag:$0x9], $0x80, s30, s0, $0xb8;
	[tilespmem:$0x19200] =	vst v63  }
0x16d: {  	_ =	swait.ge [sflag:s19], $0x1400  }
0x16e: {  	[sflag:s19] =	ssyncset.done $0x0  }
0x16f: {  	[sflag:s19] =	ssyncadd.s32 $0xFFFFEC00  }
0x170: {  	_ =	swait.ge [sflag:s20], $0x1400  }
0x171: {  	[sflag:s20] =	ssyncset.done $0x0  }
0x172: {  	[sflag:s20] =	ssyncadd.s32 $0xFFFFEC00  }
0x173: {  	_ =	swait.ge [sflag:s21], $0x1400  }
0x174: {  	[sflag:s21] =	ssyncset.done $0x0  }
0x175: {  	[sflag:s21] =	ssyncadd.s32 $0xFFFFEC00  }
0x176: {  	_ =	swait.ge [sflag:s24], $0x28  }
0x177: {  	[sflag:s24] =	ssyncset.done $0x0  }
0x178: {  	s10 =	simm.s32 $0x0;
	[sflag:s24] =	ssyncadd.s32 $0xFFFFFFD8  }
0x179: {  	v6 =	vld [tilespmem:s10+$0x3E00]  }
0x17a: {  	v11 =	vld [tilespmem:s10+$0x3E10]  }
0x17b: {  	v5 =	vld [tilespmem:s10+$0x3E20]  }
0x17c: {  	v4 =	vld [tilespmem:s10+$0x3E30]  }
0x17d: {  	v3 =	vld [tilespmem:s10+$0x3E40]  }
0x17e: {  	v2 =	vld [tilespmem:s10+$0x3E50]  }
0x17f: {  	v1 =	vld [tilespmem:s10+$0x3E60]  }
0x180: {  	v0 =	vld [tilespmem:s10+$0x3E70]  }
0x181: {  	v12 =	vld [tilespmem:s10+$0x1600]  }
0x182: {  	v13 =	vld [tilespmem:s10+$0x1610]  }
0x183: {  	v10 =	vld [tilespmem:s10+$0x1620]  }
0x184: {  	v9 =	vld [tilespmem:s10+$0x1630]  }
0x185: {  	v8 =	vld [tilespmem:s10+$0x1640]  }
0x186: {  	v7 =	vld [tilespmem:s10+$0x1650];
	v12 =	vadd.f32 v6, v12  }
0x187: {  	s8 =	simm.s32 $0x200;
	s14 =	rddreg [dreg:$0x7];
	v11 =	vadd.f32 v11, v13;
	v6 =	vld [tilespmem:s10+$0x1660]  }
.LBB2_14:
0x188: {  	s5 =	sshra.s32 s8, $0x2;
	p0 =	sne.s32 s8, $0x4E00;
	v12 =	vmax.f32 v12, $0.0e+00;
	v5 =	vadd.f32 v5, v10;
	v10 =	vld [tilespmem:s10+$0x1670]  }
0x189: {  	v13 =	vld [tilespmem:s5+$0x3E00];
	[tilespmem:s10+$0x1600] =	vst v12;
	v11 =	vmax.f32 v11, $0.0e+00;
	v4 =	vadd.f32 v4, v9  }
0x18a: {  	v14 =	vld [tilespmem:s5+$0x3E10];
	[tilespmem:s10+$0x1610] =	vst v11;
	v9 =	vmax.f32 v5, $0.0e+00;
	v3 =	vadd.f32 v3, v8  }
0x18b: {  	v5 =	vld [tilespmem:s5+$0x3E20];
	[tilespmem:s10+$0x1620] =	vst v9;
	v8 =	vmax.f32 v4, $0.0e+00;
	v2 =	vadd.f32 v2, v7  }
0x18c: {  	v4 =	vld [tilespmem:s5+$0x3E30];
	[tilespmem:s10+$0x1630] =	vst v8;
	v7 =	vmax.f32 v3, $0.0e+00;
	v1 =	vadd.f32 v1, v6  }
0x18d: {  	v3 =	vld [tilespmem:s5+$0x3E40];
	[tilespmem:s10+$0x1640] =	vst v7;
	v6 =	vmax.f32 v2, $0.0e+00;
	v0 =	vadd.f32 v0, v10  }
0x18e: {  	v2 =	vld [tilespmem:s5+$0x3E50];
	[tilespmem:s10+$0x1650] =	vst v6;
	v6 =	vmax.f32 v1, $0.0e+00  }
0x18f: {  	v1 =	vld [tilespmem:s5+$0x3E60];
	[tilespmem:s10+$0x1660] =	vst v6;
	v6 =	vmax.f32 v0, $0.0e+00  }
0x190: {  	v0 =	vld [tilespmem:s5+$0x3E70];
	[tilespmem:s10+$0x1670] =	vst v6;
	s10 =	smov.u32 s5  }
0x191: {  	v6 =	vld [tilespmem:s10+$0x1600]  }
0x192: {  	v11 =	vld [tilespmem:s10+$0x1610]  }
.Ltmp6:
0x193: {  	v10 =	vld [tilespmem:s10+$0x1620];
	(pc) =	sbr.rel @p0 .LBB2_14-.Ltmp6, $4  }
0x194: {  	v9 =	vld [tilespmem:s10+$0x1630]  }
0x195: {  	v8 =	vld [tilespmem:s10+$0x1640]  }
0x196: {  	v12 =	vadd.f32 v13, v6;
	v7 =	vld [tilespmem:s10+$0x1650]  }
0x197: {  	s8 =	sadd.s32 $0x200, s8;
	v11 =	vadd.f32 v14, v11;
	v6 =	vld [tilespmem:s10+$0x1660]  }
0x198: {  	v12 =	vmax.f32 v12, $0.0e+00;
	v5 =	vadd.f32 v5, v10;
	v63 =	vld [tilespmem:s10+$0x1670]  }
0x199: {  	[tilespmem:s10+$0x1600] =	vst v12;
	v11 =	vmax.f32 v11, $0.0e+00;
	v4 =	vadd.f32 v4, v9  }
0x19a: {  	[tilespmem:s10+$0x1610] =	vst v11;
	v5 =	vmax.f32 v5, $0.0e+00;
	v3 =	vadd.f32 v3, v8  }
0x19b: {  	[tilespmem:s10+$0x1620] =	vst v5;
	v4 =	vmax.f32 v4, $0.0e+00;
	v2 =	vadd.f32 v2, v7  }
0x19c: {  	[tilespmem:s10+$0x1630] =	vst v4;
	v3 =	vmax.f32 v3, $0.0e+00;
	v1 =	vadd.f32 v1, v6  }
0x19d: {  	[tilespmem:s10+$0x1640] =	vst v3;
	v2 =	vmax.f32 v2, $0.0e+00;
	v0 =	vadd.f32 v0, v63  }
0x19e: {  	[tilespmem:s10+$0x1650] =	vst v2;
	v1 =	vmax.f32 v1, $0.0e+00  }
0x19f: {  	[tilespmem:s10+$0x1660] =	vst v1;
	v0 =	vmax.f32 v0, $0.0e+00  }
0x1a0: {  	[tilespmem:s10+$0x1670] =	vst v0  }
0x1a1: {  	[spmem:s4] =	stream.indirect.scatter.add.f32 [tilespmem:s13], [sflag:$0xA], $0x80, s11, s0, $0xb8;
	[tilespmem:$0x19200] =	vst v63  }
0x1a2: {  	_ =	swait.ge [sflag:s25], $0x1400  }
0x1a3: {  	[sflag:s25] =	ssyncset.done $0x0  }
0x1a4: {  	[sflag:s25] =	ssyncadd.s32 $0xFFFFEC00  }
0x1a5: {  	[bflag:$0x0] =	sbarrier.arrive $0xFFFF  }
0x1a6: {  	s5 =	rddreg [dreg:$0x14]  }
0x1a7: {  	s8 =	rddreg [dreg:$0x17]  }
0x1a8: {  	[hbm:s5], [sflag:s14] =	dma.local [spmem:s8], $0x2800  }
0x1a9: {  	s8 =	simm.s32 $0xB  }
0x1aa: {  	_ =	swait.ge [sflag:s8], $0x2800  }
0x1ab: {  	s28 =	rddreg [dreg:$0x16]  }
0x1ac: {  	s29 =	rddreg [dreg:$0x15];
	s10 =	sadd.s32 $0x1, s28  }
0x1ad: {  	p0 =	sne.s32 s10, s29  }
.Ltmp7:
0x1ae: {  	_ = 	snop;
	(pc) =	sbr.rel @p0 .LBB2_1-.Ltmp7, $3  }
0x1af: {  	_ =	sdelay $0x1  }
0x1b0: {  	[sflag:s8] =	ssyncset.done $0x0  }
0x1b1: {  	[sflag:s8] =	ssyncadd.s32 $0xFFFFD800  }
0x1b2: {  	_ =	sfence.sel $0x180000  }
0x1b3: {  	[bflag:$0x0] =	sbarrier.arrive $0xFFFF  }
0x1b4: {  	_ =	strace $0x90000047  }
0x1b5: {  	s0 =	stileid.u32;
	[bflag:$0x2] =	sbarrier.arrive $0xFFFF  }
0x1b6: {  	p0 =	sne.s32 s0, $0x0;
	s0 =	rddreg [dreg:$0x4]  }
0x1b7: {  	s0 =	sadd.s32 @!p0 $0x100000, s0  }
0x1b8: {  	[sflag:s0] =	ssyncadd.tile.s32 @!p0 $0x1;
	_ =	shalt  }
.Lfunc_end2:
_tile_overlayer_lowered:
.L_overlay_start_2:
0x1b9: {  	(tag) =	ssettag $0x2  }
0x1ba: {  	s0 =	rddreg [dreg:$0x0];
	s2 =	stileid.u32  }
0x1bb: {  	s1 =	rddreg [dreg:$0x1];
	p0 =	sne.s32 s2, $0x0  }
0x1bc: {  	s3 =	rddreg [dreg:$0x2];
	[bflag:$0x3] =	sbarrier.arrive $0xFFFF;
	s2 =	simm.s32 @!p0 $0x1C0B  }
0x1bd: {  	[timem:s3], [sflag:s2] =	dma.local @!p0 [hbm:s0], s1  }
0x1be: {  	s0 =	simm.s32 @!p0 $0xB  }
0x1bf: {  	_ =	swait.ge @!p0 [sflag:s0], s1  }
0x1c0: {  	s1 =	ssub.s32 @!p0 $0x0, s1;
	[sflag:s0] =	ssyncset.done @!p0 $0x0  }
0x1c1: {  	[sflag:s0] =	ssyncadd.s32 @!p0 s1  }
0x1c2: {  	[bflag:$0x3] =	sbarrier.arrive $0xFFFF  }
0x1c3: {  	_ =	shalt  }

</sc_bundles>
